<compile_context>
chip_gen: v7x
topology: tpu7x:2x2x1
jax: 0.10.2.dev20260603
libtpu: 0.0.44.dev20260713+nightly
codegen_flags: <defaults>
</compile_context>

<pallas_src>
import jax
import jax.numpy as jnp
from jax import lax
from jax.experimental import pallas as pl
from jax.experimental.pallas import tpu as pltpu
from jax.experimental.pallas import tpu_sc as plsc

L = 16
ROWS = 8
NC = 2
T_TEXT = 2048
T_FEAT = 4096
NCH_W = T_TEXT // L
NCH_F = T_FEAT // L


def _sc_body(x_hbm, w_hbm, out_hbm, w_v, sums_v, j_v, x_v, out_v, xsem, osem):
    c = lax.axis_index("c")
    s = lax.axis_index("s")
    wid = s * NC + c
    b = wid // ROWS
    r = wid % ROWS

    xcp = pltpu.async_copy(x_hbm.at[b, pl.ds(r * ROWS, ROWS)], x_v, xsem)
    pltpu.sync_copy(w_hbm.at[b], w_v)

    @plsc.parallel_loop(0, NCH_W, unroll=4)
    def _sums(i):
        sums_v[i] = jnp.sum(w_v[pl.ds(i * L, L)])

    def _offs(k, carry):
        v = sums_v[k]
        sums_v[k] = carry
        return carry + v

    total = lax.fori_loop(0, NCH_W, _offs, jnp.int32(0), unroll=8)

    @plsc.parallel_loop(0, NCH_W, unroll=4)
    def _scat(i):
        base = i * L
        v = w_v[pl.ds(base, L)]
        cp = jnp.cumsum(v) - v + sums_v[i]
        ids = lax.iota(jnp.int32, L) + base
        plsc.store_scatter(j_v, [cp], ids, mask=v >= 1)
        plsc.store_scatter(j_v, [cp + 1], ids, mask=v >= 2)

    nfull = total // L
    rem = total - nfull * L
    zch = (total + L - 1) // L
    xcp.wait()

    GR = 4
    copies = []
    for r0 in range(0, ROWS, GR):
        rows = list(range(r0, r0 + GR))

        @plsc.parallel_loop(0, nfull, unroll=4)
        def _gath(i, rows=rows):
            base = i * L
            jc = j_v[pl.ds(base, L)]
            for rr in rows:
                row = jnp.full((L,), rr, jnp.int32)
                out_v[rr, pl.ds(base, L)] = plsc.load_gather(x_v, [row, jc])

        @pl.when(rem > 0)
        def _boundary(rows=rows):
            base = nfull * L
            mask = lax.iota(jnp.int32, L) < rem
            jc = jnp.where(mask, j_v[pl.ds(base, L)], 0)
            zero = jnp.zeros((L,), jnp.float32)
            for rr in rows:
                row = jnp.full((L,), rr, jnp.int32)
                val = plsc.load_gather(x_v, [row, jc])
                out_v[rr, pl.ds(base, L)] = jnp.where(mask, val, zero)

        @plsc.parallel_loop(zch, NCH_F, unroll=4)
        def _zero(i, rows=rows):
            base = i * L
            zero = jnp.zeros((L,), jnp.float32)
            for rr in rows:
                out_v[rr, pl.ds(base, L)] = zero

        copies.append(pltpu.async_copy(
            out_v.at[pl.ds(r0, GR)],
            out_hbm.at[b, pl.ds(r * ROWS + r0, GR)], osem))
    for cp in copies:
        cp.wait()


def kernel(x, w, x_mask, y_mask):
    B, C, T_text = x.shape
    T_feat = x_mask.shape[1]
    mesh = plsc.VectorSubcoreMesh(core_axis_name="c", subcore_axis_name="s")
    f = pl.kernel(
        _sc_body,
        mesh=mesh,
        compiler_params=pltpu.CompilerParams(
            needs_layout_passes=False,
            disable_bounds_checks=True,
            skip_device_barrier=True,
        ),
        out_type=jax.ShapeDtypeStruct((B, C, T_feat), jnp.float32),
        scratch_types=[
            pltpu.VMEM((T_TEXT,), jnp.int32),
            pltpu.SMEM((NCH_W,), jnp.int32),
            pltpu.VMEM((T_FEAT + L,), jnp.int32),
            pltpu.VMEM((ROWS, T_TEXT), jnp.float32),
            pltpu.VMEM((ROWS, T_FEAT), jnp.float32),
            pltpu.SemaphoreType.DMA,
            pltpu.SemaphoreType.DMA,
        ],
    )
    return f(x, w)

# --- scband reference (transcript-rebuilt; emitter-appended) ---
"""Pipeline reference for scband-length-regurator-13348758355985 (READ-ONLY COPY).

The authoritative reference and input builder live on the scoring server;
editing this copy changes nothing except your own understanding.
"""

import jax, jax.numpy as jnp
import numpy as np


def setup_inputs(seed: int = 0) -> dict:
    key = jax.random.key(seed)
    k1, k2 = jax.random.split(key)
    B, C, T_text, T_feat = 4, 64, 2048, 4096
    x = jax.random.normal(k1, (B, C, T_text), dtype=jnp.float32)
    # token durations (int); int32 used so module runs without jax x64 mode
    w = jax.random.randint(k2, (B, T_text), 0, 3).astype(jnp.int32)
    x_mask = jnp.ones((B, T_feat), dtype=jnp.float32)  # output-frame mask (B, T_feat)
    y_mask = jnp.ones((B, T_text), dtype=jnp.float32)  # text-token mask (B, T_text)
    return {"x": x, "w": w, "x_mask": x_mask, "y_mask": y_mask}


def reference(x, w, x_mask, y_mask):
    """Length regulator: expand x (B, C, T_text) along time by durations w (B, T_text)
    into (B, C, T_feat) using a hard monotonic alignment path (VITS-style generate_path)."""
    wf = w.astype(jnp.float32)
    cum = jnp.cumsum(wf, axis=-1)          # (B, T_text) end frame (exclusive) of each token
    cum_prev = cum - wf                    # (B, T_text) start frame of each token
    T_feat = x_mask.shape[1]
    t = jnp.arange(T_feat, dtype=jnp.float32)  # (T_feat,)
    # attn[b, f, j] = 1 if frame f is assigned to text token j
    attn = ((t[None, :, None] >= cum_prev[:, None, :]) &
            (t[None, :, None] < cum[:, None, :])).astype(x.dtype)   # (B, T_feat, T_text)
    attn = attn * y_mask[:, None, :] * x_mask[:, :, None]
    # expanded hidden state: out[b, c, f] = sum_j x[b, c, j] * attn[b, f, j]
    out = jnp.einsum('bct,bft->bcf', x, attn)  # (B, C, T_feat)
    return out

if __name__ == "__main__":
    import jax
    _d = setup_inputs()
    print(jax.jit(kernel)(*tuple(_d.values())))

</pallas_src>

<mosaic_0001>
#map = affine_map<(d0, d1) -> (0, 0, 0)>
#map1 = affine_map<(d0, d1) -> (0, 0)>
module attributes {stable_mosaic.version = 14 : i64} {
  func.func @_sc_body(%arg0: i32, %arg1: i32, %arg2: memref<4x64x2048xf32, #tpu.memory_space<hbm>>, %arg3: memref<4x2048xi32, #tpu.memory_space<hbm>>, %arg4: memref<4x64x4096xf32, #tpu.memory_space<hbm>>, %arg5: memref<2048xi32, #tpu.memory_space<vmem>>, %arg6: memref<128xi32, #tpu.memory_space<smem>>, %arg7: memref<4112xi32, #tpu.memory_space<vmem>>, %arg8: memref<8x2048xf32, #tpu.memory_space<vmem>>, %arg9: memref<8x4096xf32, #tpu.memory_space<vmem>>, %arg10: memref<!tpu.dma_semaphore, #tpu.memory_space<semaphore_mem>>, %arg11: memref<!tpu.dma_semaphore, #tpu.memory_space<semaphore_mem>>) attributes {dimension_semantics = [#tpu.dimension_semantics<core_parallel>, #tpu.dimension_semantics<subcore_parallel>], iteration_bounds = array<i64: 2, 16>, scalar_prefetch = 0 : i64, scratch_operands = 7 : i64, tpu.core_type = #tpu.core_type<sc_vector_subcore>, window_params = [{transform_indices = #map}, {transform_indices = #map1}, {transform_indices = #map}]} {
    %mul3A = arith.constant 2 : i32
    %mul3A_0 = arith.muli %arg1, %mul3A : i32
    %add3A = arith.addi %mul3A_0, %arg0 : i32
    %jit3A = arith.constant 8 : i32
    %div3A = arith.divsi %add3A, %jit3A : i32
    %sign3A = arith.constant 0 : i32
    %sign3A_1 = arith.cmpi sgt, %add3A, %sign3A : i32
    %sign3A_2 = arith.extui %sign3A_1 : i1 to i32
    %sign3A_3 = arith.constant 0 : i32
    %sign3A_4 = arith.cmpi slt, %add3A, %sign3A_3 : i32
    %sign3A_5 = arith.extui %sign3A_4 : i1 to i32
    %sign3A_6 = arith.subi %sign3A_2, %sign3A_5 : i32
    %sign3A_7 = arith.constant 0 : i32
    %sign3A_8 = arith.cmpi sgt, %jit3A, %sign3A_7 : i32
    %sign3A_9 = arith.extui %sign3A_8 : i1 to i32
    %sign3A_10 = arith.constant 0 : i32
    %sign3A_11 = arith.cmpi slt, %jit3A, %sign3A_10 : i32
    %sign3A_12 = arith.extui %sign3A_11 : i1 to i32
    %sign3A_13 = arith.subi %sign3A_9, %sign3A_12 : i32
    %ne3A = arith.cmpi ne, %sign3A_6, %sign3A_13 : i32
    %rem3A = arith.remsi %add3A, %jit3A : i32
    %ne3A_14 = arith.constant 0 : i32
    %ne3A_15 = arith.cmpi ne, %rem3A, %ne3A_14 : i32
    %and3A = arith.andi %ne3A, %ne3A_15 : i1
    %sub3A = arith.constant 1 : i32
    %sub3A_16 = arith.subi %div3A, %sub3A : i32
    %select_n3A = arith.select %and3A, %sub3A_16, %div3A : i32
    %jit3A_17 = arith.constant 8 : i32
    %eq3A = arith.constant 0 : i32
    %eq3A_18 = arith.cmpi eq, %jit3A_17, %eq3A : i32
    %jit3A_19 = arith.constant 1 : i32
    %select_n3A_20 = arith.select %eq3A_18, %jit3A_19, %jit3A_17 : i32
    %rem3A_21 = arith.remsi %add3A, %select_n3A_20 : i32
    %ne3A_22 = arith.constant 0 : i32
    %ne3A_23 = arith.cmpi ne, %rem3A_21, %ne3A_22 : i32
    %lt3A = arith.constant 0 : i32
    %lt3A_24 = arith.cmpi slt, %rem3A_21, %lt3A : i32
    %lt3A_25 = arith.constant 0 : i32
    %lt3A_26 = arith.cmpi slt, %select_n3A_20, %lt3A_25 : i32
    %ne3A_27 = arith.xori %lt3A_24, %lt3A_26 : i1
    %and3A_28 = arith.andi %ne3A_27, %ne3A_23 : i1
    %add3A_29 = arith.addi %rem3A_21, %select_n3A_20 : i32
    %select_n3A_30 = arith.select %and3A_28, %add3A_29, %rem3A_21 : i32
    %mul3A_31 = arith.constant 8 : i32
    %mul3A_32 = arith.muli %select_n3A_30, %mul3A_31 : i32
    %dma_start3A = arith.constant 0 : i32
    %dma_start3A_33 = tpu.memref_slice %arg2[%select_n3A, %mul3A_32, %dma_start3A] : memref<4x64x2048xf32, #tpu.memory_space<hbm>> -> memref<1x8x2048xf32, #tpu.memory_space<hbm>>
    %dma_start3A_34 = tpu.memref_squeeze %dma_start3A_33 : memref<1x8x2048xf32, #tpu.memory_space<hbm>> -> memref<8x2048xf32, #tpu.memory_space<hbm>>
    %dma_start3A_35 = arith.constant 0 : i32
    %dma_start3A_36 = tpu.memref_slice %arg2[%select_n3A, %mul3A_32, %dma_start3A_35] : memref<4x64x2048xf32, #tpu.memory_space<hbm>> -> memref<1x8x2048xf32, #tpu.memory_space<hbm>>
    %dma_start3A_37 = tpu.memref_squeeze %dma_start3A_36 : memref<1x8x2048xf32, #tpu.memory_space<hbm>> -> memref<8x2048xf32, #tpu.memory_space<hbm>>
    tpu.enqueue_dma source(%dma_start3A_37 : memref<8x2048xf32, #tpu.memory_space<hbm>>) target(%arg8 : memref<8x2048xf32, #tpu.memory_space<vmem>>) target_semaphore(%arg10 : memref<!tpu.dma_semaphore, #tpu.memory_space<semaphore_mem>>)
    "tpu.region"() ({
      %run_scoped3A = tpu.sem_alloc : memref<!tpu.dma_semaphore, #tpu.memory_space<semaphore_mem>>
      %dma_start3A_180 = arith.constant 0 : i32
      %dma_start3A_181 = tpu.memref_slice %arg3[%select_n3A, %dma_start3A_180] : memref<4x2048xi32, #tpu.memory_space<hbm>> -> memref<1x2048xi32, #tpu.memory_space<hbm>>
      %dma_start3A_182 = tpu.memref_squeeze %dma_start3A_181 : memref<1x2048xi32, #tpu.memory_space<hbm>> -> memref<2048xi32, #tpu.memory_space<hbm>>
      %dma_start3A_183 = arith.constant 0 : i32
      %dma_start3A_184 = tpu.memref_slice %arg3[%select_n3A, %dma_start3A_183] : memref<4x2048xi32, #tpu.memory_space<hbm>> -> memref<1x2048xi32, #tpu.memory_space<hbm>>
      %dma_start3A_185 = tpu.memref_squeeze %dma_start3A_184 : memref<1x2048xi32, #tpu.memory_space<hbm>> -> memref<2048xi32, #tpu.memory_space<hbm>>
      tpu.enqueue_dma source(%dma_start3A_185 : memref<2048xi32, #tpu.memory_space<hbm>>) target(%arg5 : memref<2048xi32, #tpu.memory_space<vmem>>) target_semaphore(%run_scoped3A : memref<!tpu.dma_semaphore, #tpu.memory_space<semaphore_mem>>)
      %dma_wait3A_186 = arith.constant 0 : i32
      %dma_wait3A_187 = tpu.memref_slice %arg3[%select_n3A, %dma_wait3A_186] : memref<4x2048xi32, #tpu.memory_space<hbm>> -> memref<1x2048xi32, #tpu.memory_space<hbm>>
      %dma_wait3A_188 = tpu.memref_squeeze %dma_wait3A_187 : memref<1x2048xi32, #tpu.memory_space<hbm>> -> memref<2048xi32, #tpu.memory_space<hbm>>
      %dma_wait3A_189 = arith.constant 0 : i32
      %dma_wait3A_190 = tpu.memref_slice %arg3[%select_n3A, %dma_wait3A_189] : memref<4x2048xi32, #tpu.memory_space<hbm>> -> memref<1x2048xi32, #tpu.memory_space<hbm>>
      %dma_wait3A_191 = tpu.memref_squeeze %dma_wait3A_190 : memref<1x2048xi32, #tpu.memory_space<hbm>> -> memref<2048xi32, #tpu.memory_space<hbm>>
      tpu.wait_dma2 semaphore(%run_scoped3A : memref<!tpu.dma_semaphore, #tpu.memory_space<semaphore_mem>>) src(%dma_wait3A_191 : memref<2048xi32, #tpu.memory_space<hbm>>) dst(%arg5 : memref<2048xi32, #tpu.memory_space<vmem>>)
      tpu.yield
    }) : () -> ()
    %parallel_loop3A = arith.constant 0 : i32
    %parallel_loop3A_38 = arith.constant 128 : i32
    %parallel_loop3A_39 = arith.constant 1 : i32
    scf.for %parallel_loop3A_180 = %parallel_loop3A to %parallel_loop3A_38 step %parallel_loop3A_39  : i32 {
      %parallel_loop3A_181 = arith.constant 16 : i32
      %parallel_loop3A_182 = arith.muli %parallel_loop3A_180, %parallel_loop3A_181 : i32
      %parallel_loop3A_183 = arith.index_cast %parallel_loop3A_182 : i32 to index
      %parallel_loop3A_184 = tpu.vector_load %arg5[%parallel_loop3A_183] {strides = array<i32>} : memref<2048xi32, #tpu.memory_space<vmem>>, vector<16xi32>,
      %parallel_loop3A_185 = arith.constant true
      %parallel_loop3A_186 = vector.broadcast %parallel_loop3A_185 : i1 to vector<16xi1>
      %parallel_loop3A_187 = tpu.scan <sum>, %parallel_loop3A_184 masked %parallel_loop3A_186 : vector<16xi32>, vector<16xi1> -> vector<16xi32>
      %parallel_loop3A_188 = vector.extract %parallel_loop3A_187[15] : i32 from vector<16xi32>
      %parallel_loop3A_189 = arith.index_cast %parallel_loop3A_180 : i32 to index
      %parallel_loop3A_190 = memref.load %arg6[%parallel_loop3A_189] : memref<128xi32, #tpu.memory_space<smem>>
      memref.store %parallel_loop3A_188, %arg6[%parallel_loop3A_189] : memref<128xi32, #tpu.memory_space<smem>>
    } {sc.loop_unroll_factor = 4 : i64, sc.parallel_access}
    %scan3A = arith.constant 0 : i32
    %scan3A_40 = arith.constant 0 : i32
    %scan3A_41 = arith.constant 128 : i32
    %scan3A_42 = arith.addi %scan3A_40, %scan3A_41 : i32
    %scan3A_43 = arith.constant 8 : i32
    %scan3A_44 = scf.for %scan3A_180 = %scan3A_40 to %scan3A_42 step %scan3A_43 iter_args(%scan3A_181 = %scan3A) -> (i32)  : i32 {
      %get3A = arith.index_cast %scan3A_180 : i32 to index
      %get3A_182 = memref.load %arg6[%get3A] : memref<128xi32, #tpu.memory_space<smem>>
      %swap3A = arith.index_cast %scan3A_180 : i32 to index
      %swap3A_183 = memref.load %arg6[%swap3A] : memref<128xi32, #tpu.memory_space<smem>>
      memref.store %scan3A_181, %arg6[%swap3A] : memref<128xi32, #tpu.memory_space<smem>>
      %add3A_184 = arith.addi %scan3A_181, %get3A_182 : i32
      %scan3A_185 = arith.constant 1 : i32
      %scan3A_186 = arith.addi %scan3A_180, %scan3A_185 : i32
      %get3A_187 = arith.index_cast %scan3A_186 : i32 to index
      %get3A_188 = memref.load %arg6[%get3A_187] : memref<128xi32, #tpu.memory_space<smem>>
      %swap3A_189 = arith.index_cast %scan3A_186 : i32 to index
      %swap3A_190 = memref.load %arg6[%swap3A_189] : memref<128xi32, #tpu.memory_space<smem>>
      memref.store %add3A_184, %arg6[%swap3A_189] : memref<128xi32, #tpu.memory_space<smem>>
      %add3A_191 = arith.addi %add3A_184, %get3A_188 : i32
      %scan3A_192 = arith.constant 2 : i32
      %scan3A_193 = arith.addi %scan3A_180, %scan3A_192 : i32
      %get3A_194 = arith.index_cast %scan3A_193 : i32 to index
      %get3A_195 = memref.load %arg6[%get3A_194] : memref<128xi32, #tpu.memory_space<smem>>
      %swap3A_196 = arith.index_cast %scan3A_193 : i32 to index
      %swap3A_197 = memref.load %arg6[%swap3A_196] : memref<128xi32, #tpu.memory_space<smem>>
      memref.store %add3A_191, %arg6[%swap3A_196] : memref<128xi32, #tpu.memory_space<smem>>
      %add3A_198 = arith.addi %add3A_191, %get3A_195 : i32
      %scan3A_199 = arith.constant 3 : i32
      %scan3A_200 = arith.addi %scan3A_180, %scan3A_199 : i32
      %get3A_201 = arith.index_cast %scan3A_200 : i32 to index
      %get3A_202 = memref.load %arg6[%get3A_201] : memref<128xi32, #tpu.memory_space<smem>>
      %swap3A_203 = arith.index_cast %scan3A_200 : i32 to index
      %swap3A_204 = memref.load %arg6[%swap3A_203] : memref<128xi32, #tpu.memory_space<smem>>
      memref.store %add3A_198, %arg6[%swap3A_203] : memref<128xi32, #tpu.memory_space<smem>>
      %add3A_205 = arith.addi %add3A_198, %get3A_202 : i32
      %scan3A_206 = arith.constant 4 : i32
      %scan3A_207 = arith.addi %scan3A_180, %scan3A_206 : i32
      %get3A_208 = arith.index_cast %scan3A_207 : i32 to index
      %get3A_209 = memref.load %arg6[%get3A_208] : memref<128xi32, #tpu.memory_space<smem>>
      %swap3A_210 = arith.index_cast %scan3A_207 : i32 to index
      %swap3A_211 = memref.load %arg6[%swap3A_210] : memref<128xi32, #tpu.memory_space<smem>>
      memref.store %add3A_205, %arg6[%swap3A_210] : memref<128xi32, #tpu.memory_space<smem>>
      %add3A_212 = arith.addi %add3A_205, %get3A_209 : i32
      %scan3A_213 = arith.constant 5 : i32
      %scan3A_214 = arith.addi %scan3A_180, %scan3A_213 : i32
      %get3A_215 = arith.index_cast %scan3A_214 : i32 to index
      %get3A_216 = memref.load %arg6[%get3A_215] : memref<128xi32, #tpu.memory_space<smem>>
      %swap3A_217 = arith.index_cast %scan3A_214 : i32 to index
      %swap3A_218 = memref.load %arg6[%swap3A_217] : memref<128xi32, #tpu.memory_space<smem>>
      memref.store %add3A_212, %arg6[%swap3A_217] : memref<128xi32, #tpu.memory_space<smem>>
      %add3A_219 = arith.addi %add3A_212, %get3A_216 : i32
      %scan3A_220 = arith.constant 6 : i32
      %scan3A_221 = arith.addi %scan3A_180, %scan3A_220 : i32
      %get3A_222 = arith.index_cast %scan3A_221 : i32 to index
      %get3A_223 = memref.load %arg6[%get3A_222] : memref<128xi32, #tpu.memory_space<smem>>
      %swap3A_224 = arith.index_cast %scan3A_221 : i32 to index
      %swap3A_225 = memref.load %arg6[%swap3A_224] : memref<128xi32, #tpu.memory_space<smem>>
      memref.store %add3A_219, %arg6[%swap3A_224] : memref<128xi32, #tpu.memory_space<smem>>
      %add3A_226 = arith.addi %add3A_219, %get3A_223 : i32
      %scan3A_227 = arith.constant 7 : i32
      %scan3A_228 = arith.addi %scan3A_180, %scan3A_227 : i32
      %get3A_229 = arith.index_cast %scan3A_228 : i32 to index
      %get3A_230 = memref.load %arg6[%get3A_229] : memref<128xi32, #tpu.memory_space<smem>>
      %swap3A_231 = arith.index_cast %scan3A_228 : i32 to index
      %swap3A_232 = memref.load %arg6[%swap3A_231] : memref<128xi32, #tpu.memory_space<smem>>
      memref.store %add3A_226, %arg6[%swap3A_231] : memref<128xi32, #tpu.memory_space<smem>>
      %add3A_233 = arith.addi %add3A_226, %get3A_230 : i32
      scf.yield %add3A_233 : i32
    }
    %scan3A_45 = arith.constant 128 : i32
    %parallel_loop3A_46 = arith.constant 0 : i32
    %parallel_loop3A_47 = arith.constant 128 : i32
    %parallel_loop3A_48 = arith.constant 1 : i32
    scf.for %parallel_loop3A_180 = %parallel_loop3A_46 to %parallel_loop3A_47 step %parallel_loop3A_48  : i32 {
      %parallel_loop3A_181 = arith.constant 16 : i32
      %parallel_loop3A_182 = arith.muli %parallel_loop3A_180, %parallel_loop3A_181 : i32
      %parallel_loop3A_183 = arith.index_cast %parallel_loop3A_182 : i32 to index
      %parallel_loop3A_184 = tpu.vector_load %arg5[%parallel_loop3A_183] {strides = array<i32>} : memref<2048xi32, #tpu.memory_space<vmem>>, vector<16xi32>,
      %parallel_loop3A_185 = arith.constant true
      %parallel_loop3A_186 = vector.broadcast %parallel_loop3A_185 : i1 to vector<16xi1>
      %parallel_loop3A_187 = tpu.scan <sum>, %parallel_loop3A_184 masked %parallel_loop3A_186 : vector<16xi32>, vector<16xi1> -> vector<16xi32>
      %parallel_loop3A_188 = arith.subi %parallel_loop3A_187, %parallel_loop3A_184 : vector<16xi32>
      %parallel_loop3A_189 = arith.index_cast %parallel_loop3A_180 : i32 to index
      %parallel_loop3A_190 = memref.load %arg6[%parallel_loop3A_189] : memref<128xi32, #tpu.memory_space<smem>>
      %parallel_loop3A_191 = vector.broadcast %parallel_loop3A_190 : i32 to vector<16xi32>
      %parallel_loop3A_192 = arith.addi %parallel_loop3A_188, %parallel_loop3A_191 : vector<16xi32>
      %parallel_loop3A_193 = tpu.iota {dimensions = array<i32: 0>} : vector<16xi32>
      %parallel_loop3A_194 = vector.broadcast %parallel_loop3A_182 : i32 to vector<16xi32>
      %parallel_loop3A_195 = arith.addi %parallel_loop3A_193, %parallel_loop3A_194 : vector<16xi32>
      %parallel_loop3A_196 = arith.constant 1 : i32
      %parallel_loop3A_197 = vector.broadcast %parallel_loop3A_196 : i32 to vector<16xi32>
      %parallel_loop3A_198 = arith.cmpi sge, %parallel_loop3A_184, %parallel_loop3A_197 : vector<16xi32>
      tpu.vector_store_idx %arg7[%parallel_loop3A_192], %parallel_loop3A_195 masked %parallel_loop3A_198 : memref<4112xi32, #tpu.memory_space<vmem>>[vector<16xi32>], vector<16xi32>, vector<16xi1>
      %parallel_loop3A_199 = arith.constant 1 : i32
      %parallel_loop3A_200 = vector.broadcast %parallel_loop3A_199 : i32 to vector<16xi32>
      %parallel_loop3A_201 = arith.addi %parallel_loop3A_192, %parallel_loop3A_200 : vector<16xi32>
      %parallel_loop3A_202 = arith.constant 2 : i32
      %parallel_loop3A_203 = vector.broadcast %parallel_loop3A_202 : i32 to vector<16xi32>
      %parallel_loop3A_204 = arith.cmpi sge, %parallel_loop3A_184, %parallel_loop3A_203 : vector<16xi32>
      tpu.vector_store_idx %arg7[%parallel_loop3A_201], %parallel_loop3A_195 masked %parallel_loop3A_204 : memref<4112xi32, #tpu.memory_space<vmem>>[vector<16xi32>], vector<16xi32>, vector<16xi1>
    } {sc.loop_unroll_factor = 4 : i64, sc.parallel_access}
    %jit3A_49 = arith.constant 16 : i32
    %div3A_50 = arith.divsi %scan3A_44, %jit3A_49 : i32
    %sign3A_51 = arith.constant 0 : i32
    %sign3A_52 = arith.cmpi sgt, %scan3A_44, %sign3A_51 : i32
    %sign3A_53 = arith.extui %sign3A_52 : i1 to i32
    %sign3A_54 = arith.constant 0 : i32
    %sign3A_55 = arith.cmpi slt, %scan3A_44, %sign3A_54 : i32
    %sign3A_56 = arith.extui %sign3A_55 : i1 to i32
    %sign3A_57 = arith.subi %sign3A_53, %sign3A_56 : i32
    %sign3A_58 = arith.constant 0 : i32
    %sign3A_59 = arith.cmpi sgt, %jit3A_49, %sign3A_58 : i32
    %sign3A_60 = arith.extui %sign3A_59 : i1 to i32
    %sign3A_61 = arith.constant 0 : i32
    %sign3A_62 = arith.cmpi slt, %jit3A_49, %sign3A_61 : i32
    %sign3A_63 = arith.extui %sign3A_62 : i1 to i32
    %sign3A_64 = arith.subi %sign3A_60, %sign3A_63 : i32
    %ne3A_65 = arith.cmpi ne, %sign3A_57, %sign3A_64 : i32
    %rem3A_66 = arith.remsi %scan3A_44, %jit3A_49 : i32
    %ne3A_67 = arith.constant 0 : i32
    %ne3A_68 = arith.cmpi ne, %rem3A_66, %ne3A_67 : i32
    %and3A_69 = arith.andi %ne3A_65, %ne3A_68 : i1
    %sub3A_70 = arith.constant 1 : i32
    %sub3A_71 = arith.subi %div3A_50, %sub3A_70 : i32
    %select_n3A_72 = arith.select %and3A_69, %sub3A_71, %div3A_50 : i32
    %mul3A_73 = arith.constant 16 : i32
    %mul3A_74 = arith.muli %select_n3A_72, %mul3A_73 : i32
    %sub3A_75 = arith.subi %scan3A_44, %mul3A_74 : i32
    %add3A_76 = arith.constant 16 : i32
    %add3A_77 = arith.addi %scan3A_44, %add3A_76 : i32
    %sub3A_78 = arith.constant 1 : i32
    %sub3A_79 = arith.subi %add3A_77, %sub3A_78 : i32
    %jit3A_80 = arith.constant 16 : i32
    %div3A_81 = arith.divsi %sub3A_79, %jit3A_80 : i32
    %sign3A_82 = arith.constant 0 : i32
    %sign3A_83 = arith.cmpi sgt, %sub3A_79, %sign3A_82 : i32
    %sign3A_84 = arith.extui %sign3A_83 : i1 to i32
    %sign3A_85 = arith.constant 0 : i32
    %sign3A_86 = arith.cmpi slt, %sub3A_79, %sign3A_85 : i32
    %sign3A_87 = arith.extui %sign3A_86 : i1 to i32
    %sign3A_88 = arith.subi %sign3A_84, %sign3A_87 : i32
    %sign3A_89 = arith.constant 0 : i32
    %sign3A_90 = arith.cmpi sgt, %jit3A_80, %sign3A_89 : i32
    %sign3A_91 = arith.extui %sign3A_90 : i1 to i32
    %sign3A_92 = arith.constant 0 : i32
    %sign3A_93 = arith.cmpi slt, %jit3A_80, %sign3A_92 : i32
    %sign3A_94 = arith.extui %sign3A_93 : i1 to i32
    %sign3A_95 = arith.subi %sign3A_91, %sign3A_94 : i32
    %ne3A_96 = arith.cmpi ne, %sign3A_88, %sign3A_95 : i32
    %rem3A_97 = arith.remsi %sub3A_79, %jit3A_80 : i32
    %ne3A_98 = arith.constant 0 : i32
    %ne3A_99 = arith.cmpi ne, %rem3A_97, %ne3A_98 : i32
    %and3A_100 = arith.andi %ne3A_96, %ne3A_99 : i1
    %sub3A_101 = arith.constant 1 : i32
    %sub3A_102 = arith.subi %div3A_81, %sub3A_101 : i32
    %select_n3A_103 = arith.select %and3A_100, %sub3A_102, %div3A_81 : i32
    %dma_wait3A = arith.constant 0 : i32
    %dma_wait3A_104 = tpu.memref_slice %arg2[%select_n3A, %mul3A_32, %dma_wait3A] : memref<4x64x2048xf32, #tpu.memory_space<hbm>> -> memref<1x8x2048xf32, #tpu.memory_space<hbm>>
    %dma_wait3A_105 = tpu.memref_squeeze %dma_wait3A_104 : memref<1x8x2048xf32, #tpu.memory_space<hbm>> -> memref<8x2048xf32, #tpu.memory_space<hbm>>
    %dma_wait3A_106 = arith.constant 0 : i32
    %dma_wait3A_107 = tpu.memref_slice %arg2[%select_n3A, %mul3A_32, %dma_wait3A_106] : memref<4x64x2048xf32, #tpu.memory_space<hbm>> -> memref<1x8x2048xf32, #tpu.memory_space<hbm>>
    %dma_wait3A_108 = tpu.memref_squeeze %dma_wait3A_107 : memref<1x8x2048xf32, #tpu.memory_space<hbm>> -> memref<8x2048xf32, #tpu.memory_space<hbm>>
    tpu.wait_dma2 semaphore(%arg10 : memref<!tpu.dma_semaphore, #tpu.memory_space<semaphore_mem>>) src(%dma_wait3A_108 : memref<8x2048xf32, #tpu.memory_space<hbm>>) dst(%arg8 : memref<8x2048xf32, #tpu.memory_space<vmem>>)
    %parallel_loop3A_109 = arith.constant 0 : i32
    %parallel_loop3A_110 = arith.constant 1 : i32
    scf.for %parallel_loop3A_180 = %parallel_loop3A_109 to %select_n3A_72 step %parallel_loop3A_110  : i32 {
      %parallel_loop3A_181 = arith.constant 16 : i32
      %parallel_loop3A_182 = arith.muli %parallel_loop3A_180, %parallel_loop3A_181 : i32
      %parallel_loop3A_183 = arith.index_cast %parallel_loop3A_182 : i32 to index
      %parallel_loop3A_184 = tpu.vector_load %arg7[%parallel_loop3A_183] {strides = array<i32>} : memref<4112xi32, #tpu.memory_space<vmem>>, vector<16xi32>,
      %parallel_loop3A_185 = arith.constant 0 : i32
      %parallel_loop3A_186 = vector.broadcast %parallel_loop3A_185 : i32 to vector<16xi32>
      %parallel_loop3A_187 = tpu.vector_load_idx %arg8[%parallel_loop3A_186, %parallel_loop3A_184] : memref<8x2048xf32, #tpu.memory_space<vmem>>[vector<16xi32>, vector<16xi32>], vector<16xf32>,
      %parallel_loop3A_188 = arith.constant 0 : i32
      %parallel_loop3A_189 = arith.index_cast %parallel_loop3A_188 : i32 to index
      %parallel_loop3A_190 = arith.index_cast %parallel_loop3A_182 : i32 to index
      %parallel_loop3A_191 = tpu.vector_load %arg9[%parallel_loop3A_189, %parallel_loop3A_190] {strides = array<i32>} : memref<8x4096xf32, #tpu.memory_space<vmem>>, vector<16xf32>,
      tpu.vector_store %arg9[%parallel_loop3A_189, %parallel_loop3A_190], %parallel_loop3A_187 {strides = array<i32>} : memref<8x4096xf32, #tpu.memory_space<vmem>>, vector<16xf32>,
      %parallel_loop3A_192 = arith.constant 1 : i32
      %parallel_loop3A_193 = vector.broadcast %parallel_loop3A_192 : i32 to vector<16xi32>
      %parallel_loop3A_194 = tpu.vector_load_idx %arg8[%parallel_loop3A_193, %parallel_loop3A_184] : memref<8x2048xf32, #tpu.memory_space<vmem>>[vector<16xi32>, vector<16xi32>], vector<16xf32>,
      %parallel_loop3A_195 = arith.constant 1 : i32
      %parallel_loop3A_196 = arith.index_cast %parallel_loop3A_195 : i32 to index
      %parallel_loop3A_197 = arith.index_cast %parallel_loop3A_182 : i32 to index
      %parallel_loop3A_198 = tpu.vector_load %arg9[%parallel_loop3A_196, %parallel_loop3A_197] {strides = array<i32>} : memref<8x4096xf32, #tpu.memory_space<vmem>>, vector<16xf32>,
      tpu.vector_store %arg9[%parallel_loop3A_196, %parallel_loop3A_197], %parallel_loop3A_194 {strides = array<i32>} : memref<8x4096xf32, #tpu.memory_space<vmem>>, vector<16xf32>,
      %parallel_loop3A_199 = arith.constant 2 : i32
      %parallel_loop3A_200 = vector.broadcast %parallel_loop3A_199 : i32 to vector<16xi32>
      %parallel_loop3A_201 = tpu.vector_load_idx %arg8[%parallel_loop3A_200, %parallel_loop3A_184] : memref<8x2048xf32, #tpu.memory_space<vmem>>[vector<16xi32>, vector<16xi32>], vector<16xf32>,
      %parallel_loop3A_202 = arith.constant 2 : i32
      %parallel_loop3A_203 = arith.index_cast %parallel_loop3A_202 : i32 to index
      %parallel_loop3A_204 = arith.index_cast %parallel_loop3A_182 : i32 to index
      %parallel_loop3A_205 = tpu.vector_load %arg9[%parallel_loop3A_203, %parallel_loop3A_204] {strides = array<i32>} : memref<8x4096xf32, #tpu.memory_space<vmem>>, vector<16xf32>,
      tpu.vector_store %arg9[%parallel_loop3A_203, %parallel_loop3A_204], %parallel_loop3A_201 {strides = array<i32>} : memref<8x4096xf32, #tpu.memory_space<vmem>>, vector<16xf32>,
      %parallel_loop3A_206 = arith.constant 3 : i32
      %parallel_loop3A_207 = vector.broadcast %parallel_loop3A_206 : i32 to vector<16xi32>
      %parallel_loop3A_208 = tpu.vector_load_idx %arg8[%parallel_loop3A_207, %parallel_loop3A_184] : memref<8x2048xf32, #tpu.memory_space<vmem>>[vector<16xi32>, vector<16xi32>], vector<16xf32>,
      %parallel_loop3A_209 = arith.constant 3 : i32
      %parallel_loop3A_210 = arith.index_cast %parallel_loop3A_209 : i32 to index
      %parallel_loop3A_211 = arith.index_cast %parallel_loop3A_182 : i32 to index
      %parallel_loop3A_212 = tpu.vector_load %arg9[%parallel_loop3A_210, %parallel_loop3A_211] {strides = array<i32>} : memref<8x4096xf32, #tpu.memory_space<vmem>>, vector<16xf32>,
      tpu.vector_store %arg9[%parallel_loop3A_210, %parallel_loop3A_211], %parallel_loop3A_208 {strides = array<i32>} : memref<8x4096xf32, #tpu.memory_space<vmem>>, vector<16xf32>,
    } {sc.loop_unroll_factor = 4 : i64, sc.parallel_access}
    %gt3A = arith.constant 0 : i32
    %gt3A_111 = arith.cmpi sgt, %sub3A_75, %gt3A : i32
    %convert_element_type3A = arith.extui %gt3A_111 : i1 to i32
    %cond3A = arith.constant 0 : i32
    %cond3A_112 = arith.cmpi ne, %convert_element_type3A, %cond3A : i32
    scf.if %cond3A_112 {
      %mul3A_180 = arith.constant 16 : i32
      %mul3A_181 = arith.muli %select_n3A_72, %mul3A_180 : i32
      %iota3A = tpu.iota {dimensions = array<i32: 0>} : vector<16xi32>
      %lt3A_182 = vector.broadcast %sub3A_75 : i32 to vector<16xi32>
      %lt3A_183 = arith.cmpi slt, %iota3A, %lt3A_182 : vector<16xi32>
      %get3A = arith.index_cast %mul3A_181 : i32 to index
      %get3A_184 = tpu.vector_load %arg7[%get3A] {strides = array<i32>} : memref<4112xi32, #tpu.memory_space<vmem>>, vector<16xi32>,
      %jit3A_185 = arith.constant 0 : i32
      %broadcast_in_dim3A = vector.broadcast %jit3A_185 : i32 to vector<16xi32>
      %select_n3A_186 = arith.select %lt3A_183, %get3A_184, %broadcast_in_dim3A : vector<16xi1>, vector<16xi32>
      %broadcast_in_dim3A_187 = arith.constant 0.000000e+00 : f32
      %broadcast_in_dim3A_188 = vector.broadcast %broadcast_in_dim3A_187 : f32 to vector<16xf32>
      %broadcast_in_dim3A_189 = arith.constant 0 : i32
      %broadcast_in_dim3A_190 = vector.broadcast %broadcast_in_dim3A_189 : i32 to vector<16xi32>
      %gather3A = tpu.vector_load_idx %arg8[%broadcast_in_dim3A_190, %select_n3A_186] : memref<8x2048xf32, #tpu.memory_space<vmem>>[vector<16xi32>, vector<16xi32>], vector<16xf32>,
      %select_n3A_191 = arith.select %lt3A_183, %gather3A, %broadcast_in_dim3A_188 : vector<16xi1>, vector<16xf32>
      %swap3A = arith.constant 0 : i32
      %swap3A_192 = arith.index_cast %swap3A : i32 to index
      %swap3A_193 = arith.index_cast %mul3A_181 : i32 to index
      %swap3A_194 = tpu.vector_load %arg9[%swap3A_192, %swap3A_193] {strides = array<i32>} : memref<8x4096xf32, #tpu.memory_space<vmem>>, vector<16xf32>,
      tpu.vector_store %arg9[%swap3A_192, %swap3A_193], %select_n3A_191 {strides = array<i32>} : memref<8x4096xf32, #tpu.memory_space<vmem>>, vector<16xf32>,
      %broadcast_in_dim3A_195 = arith.constant 1 : i32
      %broadcast_in_dim3A_196 = vector.broadcast %broadcast_in_dim3A_195 : i32 to vector<16xi32>
      %gather3A_197 = tpu.vector_load_idx %arg8[%broadcast_in_dim3A_196, %select_n3A_186] : memref<8x2048xf32, #tpu.memory_space<vmem>>[vector<16xi32>, vector<16xi32>], vector<16xf32>,
      %select_n3A_198 = arith.select %lt3A_183, %gather3A_197, %broadcast_in_dim3A_188 : vector<16xi1>, vector<16xf32>
      %swap3A_199 = arith.constant 1 : i32
      %swap3A_200 = arith.index_cast %swap3A_199 : i32 to index
      %swap3A_201 = arith.index_cast %mul3A_181 : i32 to index
      %swap3A_202 = tpu.vector_load %arg9[%swap3A_200, %swap3A_201] {strides = array<i32>} : memref<8x4096xf32, #tpu.memory_space<vmem>>, vector<16xf32>,
      tpu.vector_store %arg9[%swap3A_200, %swap3A_201], %select_n3A_198 {strides = array<i32>} : memref<8x4096xf32, #tpu.memory_space<vmem>>, vector<16xf32>,
      %broadcast_in_dim3A_203 = arith.constant 2 : i32
      %broadcast_in_dim3A_204 = vector.broadcast %broadcast_in_dim3A_203 : i32 to vector<16xi32>
      %gather3A_205 = tpu.vector_load_idx %arg8[%broadcast_in_dim3A_204, %select_n3A_186] : memref<8x2048xf32, #tpu.memory_space<vmem>>[vector<16xi32>, vector<16xi32>], vector<16xf32>,
      %select_n3A_206 = arith.select %lt3A_183, %gather3A_205, %broadcast_in_dim3A_188 : vector<16xi1>, vector<16xf32>
      %swap3A_207 = arith.constant 2 : i32
      %swap3A_208 = arith.index_cast %swap3A_207 : i32 to index
      %swap3A_209 = arith.index_cast %mul3A_181 : i32 to index
      %swap3A_210 = tpu.vector_load %arg9[%swap3A_208, %swap3A_209] {strides = array<i32>} : memref<8x4096xf32, #tpu.memory_space<vmem>>, vector<16xf32>,
      tpu.vector_store %arg9[%swap3A_208, %swap3A_209], %select_n3A_206 {strides = array<i32>} : memref<8x4096xf32, #tpu.memory_space<vmem>>, vector<16xf32>,
      %broadcast_in_dim3A_211 = arith.constant 3 : i32
      %broadcast_in_dim3A_212 = vector.broadcast %broadcast_in_dim3A_211 : i32 to vector<16xi32>
      %gather3A_213 = tpu.vector_load_idx %arg8[%broadcast_in_dim3A_212, %select_n3A_186] : memref<8x2048xf32, #tpu.memory_space<vmem>>[vector<16xi32>, vector<16xi32>], vector<16xf32>,
      %select_n3A_214 = arith.select %lt3A_183, %gather3A_213, %broadcast_in_dim3A_188 : vector<16xi1>, vector<16xf32>
      %swap3A_215 = arith.constant 3 : i32
      %swap3A_216 = arith.index_cast %swap3A_215 : i32 to index
      %swap3A_217 = arith.index_cast %mul3A_181 : i32 to index
      %swap3A_218 = tpu.vector_load %arg9[%swap3A_216, %swap3A_217] {strides = array<i32>} : memref<8x4096xf32, #tpu.memory_space<vmem>>, vector<16xf32>,
      tpu.vector_store %arg9[%swap3A_216, %swap3A_217], %select_n3A_214 {strides = array<i32>} : memref<8x4096xf32, #tpu.memory_space<vmem>>, vector<16xf32>,
    } else {
    }
    %parallel_loop3A_113 = arith.constant 256 : i32
    %parallel_loop3A_114 = arith.constant 1 : i32
    scf.for %parallel_loop3A_180 = %select_n3A_103 to %parallel_loop3A_113 step %parallel_loop3A_114  : i32 {
      %parallel_loop3A_181 = arith.constant 16 : i32
      %parallel_loop3A_182 = arith.muli %parallel_loop3A_180, %parallel_loop3A_181 : i32
      %parallel_loop3A_183 = arith.constant 0.000000e+00 : f32
      %parallel_loop3A_184 = vector.broadcast %parallel_loop3A_183 : f32 to vector<16xf32>
      %parallel_loop3A_185 = arith.constant 0 : i32
      %parallel_loop3A_186 = arith.index_cast %parallel_loop3A_185 : i32 to index
      %parallel_loop3A_187 = arith.index_cast %parallel_loop3A_182 : i32 to index
      %parallel_loop3A_188 = tpu.vector_load %arg9[%parallel_loop3A_186, %parallel_loop3A_187] {strides = array<i32>} : memref<8x4096xf32, #tpu.memory_space<vmem>>, vector<16xf32>,
      tpu.vector_store %arg9[%parallel_loop3A_186, %parallel_loop3A_187], %parallel_loop3A_184 {strides = array<i32>} : memref<8x4096xf32, #tpu.memory_space<vmem>>, vector<16xf32>,
      %parallel_loop3A_189 = arith.constant 1 : i32
      %parallel_loop3A_190 = arith.index_cast %parallel_loop3A_189 : i32 to index
      %parallel_loop3A_191 = arith.index_cast %parallel_loop3A_182 : i32 to index
      %parallel_loop3A_192 = tpu.vector_load %arg9[%parallel_loop3A_190, %parallel_loop3A_191] {strides = array<i32>} : memref<8x4096xf32, #tpu.memory_space<vmem>>, vector<16xf32>,
      tpu.vector_store %arg9[%parallel_loop3A_190, %parallel_loop3A_191], %parallel_loop3A_184 {strides = array<i32>} : memref<8x4096xf32, #tpu.memory_space<vmem>>, vector<16xf32>,
      %parallel_loop3A_193 = arith.constant 2 : i32
      %parallel_loop3A_194 = arith.index_cast %parallel_loop3A_193 : i32 to index
      %parallel_loop3A_195 = arith.index_cast %parallel_loop3A_182 : i32 to index
      %parallel_loop3A_196 = tpu.vector_load %arg9[%parallel_loop3A_194, %parallel_loop3A_195] {strides = array<i32>} : memref<8x4096xf32, #tpu.memory_space<vmem>>, vector<16xf32>,
      tpu.vector_store %arg9[%parallel_loop3A_194, %parallel_loop3A_195], %parallel_loop3A_184 {strides = array<i32>} : memref<8x4096xf32, #tpu.memory_space<vmem>>, vector<16xf32>,
      %parallel_loop3A_197 = arith.constant 3 : i32
      %parallel_loop3A_198 = arith.index_cast %parallel_loop3A_197 : i32 to index
      %parallel_loop3A_199 = arith.index_cast %parallel_loop3A_182 : i32 to index
      %parallel_loop3A_200 = tpu.vector_load %arg9[%parallel_loop3A_198, %parallel_loop3A_199] {strides = array<i32>} : memref<8x4096xf32, #tpu.memory_space<vmem>>, vector<16xf32>,
      tpu.vector_store %arg9[%parallel_loop3A_198, %parallel_loop3A_199], %parallel_loop3A_184 {strides = array<i32>} : memref<8x4096xf32, #tpu.memory_space<vmem>>, vector<16xf32>,
    } {sc.loop_unroll_factor = 4 : i64, sc.parallel_access}
    %mul3A_115 = arith.constant 8 : i32
    %mul3A_116 = arith.muli %select_n3A_30, %mul3A_115 : i32
    %add3A_117 = arith.constant 0 : i32
    %add3A_118 = arith.addi %mul3A_116, %add3A_117 : i32
    %dma_start3A_119 = arith.constant 0 : i32
    %dma_start3A_120 = arith.constant 0 : i32
    %dma_start3A_121 = tpu.memref_slice %arg9[%dma_start3A_119, %dma_start3A_120] : memref<8x4096xf32, #tpu.memory_space<vmem>> -> memref<4x4096xf32, #tpu.memory_space<vmem>>
    %dma_start3A_122 = arith.constant 0 : i32
    %dma_start3A_123 = tpu.memref_slice %arg4[%select_n3A, %add3A_118, %dma_start3A_122] : memref<4x64x4096xf32, #tpu.memory_space<hbm>> -> memref<1x4x4096xf32, #tpu.memory_space<hbm>>
    %dma_start3A_124 = tpu.memref_squeeze %dma_start3A_123 : memref<1x4x4096xf32, #tpu.memory_space<hbm>> -> memref<4x4096xf32, #tpu.memory_space<hbm>>
    %dma_start3A_125 = arith.constant 0 : i32
    %dma_start3A_126 = tpu.memref_slice %arg4[%select_n3A, %add3A_118, %dma_start3A_125] : memref<4x64x4096xf32, #tpu.memory_space<hbm>> -> memref<1x4x4096xf32, #tpu.memory_space<hbm>>
    %dma_start3A_127 = tpu.memref_squeeze %dma_start3A_126 : memref<1x4x4096xf32, #tpu.memory_space<hbm>> -> memref<4x4096xf32, #tpu.memory_space<hbm>>
    %dma_start3A_128 = arith.constant 0 : i32
    %dma_start3A_129 = arith.constant 0 : i32
    %dma_start3A_130 = tpu.memref_slice %arg9[%dma_start3A_128, %dma_start3A_129] : memref<8x4096xf32, #tpu.memory_space<vmem>> -> memref<4x4096xf32, #tpu.memory_space<vmem>>
    tpu.enqueue_dma source(%dma_start3A_130 : memref<4x4096xf32, #tpu.memory_space<vmem>>) target(%dma_start3A_127 : memref<4x4096xf32, #tpu.memory_space<hbm>>) target_semaphore(%arg11 : memref<!tpu.dma_semaphore, #tpu.memory_space<semaphore_mem>>)
    %parallel_loop3A_131 = arith.constant 0 : i32
    %parallel_loop3A_132 = arith.constant 1 : i32
    scf.for %parallel_loop3A_180 = %parallel_loop3A_131 to %select_n3A_72 step %parallel_loop3A_132  : i32 {
      %parallel_loop3A_181 = arith.constant 16 : i32
      %parallel_loop3A_182 = arith.muli %parallel_loop3A_180, %parallel_loop3A_181 : i32
      %parallel_loop3A_183 = arith.index_cast %parallel_loop3A_182 : i32 to index
      %parallel_loop3A_184 = tpu.vector_load %arg7[%parallel_loop3A_183] {strides = array<i32>} : memref<4112xi32, #tpu.memory_space<vmem>>, vector<16xi32>,
      %parallel_loop3A_185 = arith.constant 4 : i32
      %parallel_loop3A_186 = vector.broadcast %parallel_loop3A_185 : i32 to vector<16xi32>
      %parallel_loop3A_187 = tpu.vector_load_idx %arg8[%parallel_loop3A_186, %parallel_loop3A_184] : memref<8x2048xf32, #tpu.memory_space<vmem>>[vector<16xi32>, vector<16xi32>], vector<16xf32>,
      %parallel_loop3A_188 = arith.constant 4 : i32
      %parallel_loop3A_189 = arith.index_cast %parallel_loop3A_188 : i32 to index
      %parallel_loop3A_190 = arith.index_cast %parallel_loop3A_182 : i32 to index
      %parallel_loop3A_191 = tpu.vector_load %arg9[%parallel_loop3A_189, %parallel_loop3A_190] {strides = array<i32>} : memref<8x4096xf32, #tpu.memory_space<vmem>>, vector<16xf32>,
      tpu.vector_store %arg9[%parallel_loop3A_189, %parallel_loop3A_190], %parallel_loop3A_187 {strides = array<i32>} : memref<8x4096xf32, #tpu.memory_space<vmem>>, vector<16xf32>,
      %parallel_loop3A_192 = arith.constant 5 : i32
      %parallel_loop3A_193 = vector.broadcast %parallel_loop3A_192 : i32 to vector<16xi32>
      %parallel_loop3A_194 = tpu.vector_load_idx %arg8[%parallel_loop3A_193, %parallel_loop3A_184] : memref<8x2048xf32, #tpu.memory_space<vmem>>[vector<16xi32>, vector<16xi32>], vector<16xf32>,
      %parallel_loop3A_195 = arith.constant 5 : i32
      %parallel_loop3A_196 = arith.index_cast %parallel_loop3A_195 : i32 to index
      %parallel_loop3A_197 = arith.index_cast %parallel_loop3A_182 : i32 to index
      %parallel_loop3A_198 = tpu.vector_load %arg9[%parallel_loop3A_196, %parallel_loop3A_197] {strides = array<i32>} : memref<8x4096xf32, #tpu.memory_space<vmem>>, vector<16xf32>,
      tpu.vector_store %arg9[%parallel_loop3A_196, %parallel_loop3A_197], %parallel_loop3A_194 {strides = array<i32>} : memref<8x4096xf32, #tpu.memory_space<vmem>>, vector<16xf32>,
      %parallel_loop3A_199 = arith.constant 6 : i32
      %parallel_loop3A_200 = vector.broadcast %parallel_loop3A_199 : i32 to vector<16xi32>
      %parallel_loop3A_201 = tpu.vector_load_idx %arg8[%parallel_loop3A_200, %parallel_loop3A_184] : memref<8x2048xf32, #tpu.memory_space<vmem>>[vector<16xi32>, vector<16xi32>], vector<16xf32>,
      %parallel_loop3A_202 = arith.constant 6 : i32
      %parallel_loop3A_203 = arith.index_cast %parallel_loop3A_202 : i32 to index
      %parallel_loop3A_204 = arith.index_cast %parallel_loop3A_182 : i32 to index
      %parallel_loop3A_205 = tpu.vector_load %arg9[%parallel_loop3A_203, %parallel_loop3A_204] {strides = array<i32>} : memref<8x4096xf32, #tpu.memory_space<vmem>>, vector<16xf32>,
      tpu.vector_store %arg9[%parallel_loop3A_203, %parallel_loop3A_204], %parallel_loop3A_201 {strides = array<i32>} : memref<8x4096xf32, #tpu.memory_space<vmem>>, vector<16xf32>,
      %parallel_loop3A_206 = arith.constant 7 : i32
      %parallel_loop3A_207 = vector.broadcast %parallel_loop3A_206 : i32 to vector<16xi32>
      %parallel_loop3A_208 = tpu.vector_load_idx %arg8[%parallel_loop3A_207, %parallel_loop3A_184] : memref<8x2048xf32, #tpu.memory_space<vmem>>[vector<16xi32>, vector<16xi32>], vector<16xf32>,
      %parallel_loop3A_209 = arith.constant 7 : i32
      %parallel_loop3A_210 = arith.index_cast %parallel_loop3A_209 : i32 to index
      %parallel_loop3A_211 = arith.index_cast %parallel_loop3A_182 : i32 to index
      %parallel_loop3A_212 = tpu.vector_load %arg9[%parallel_loop3A_210, %parallel_loop3A_211] {strides = array<i32>} : memref<8x4096xf32, #tpu.memory_space<vmem>>, vector<16xf32>,
      tpu.vector_store %arg9[%parallel_loop3A_210, %parallel_loop3A_211], %parallel_loop3A_208 {strides = array<i32>} : memref<8x4096xf32, #tpu.memory_space<vmem>>, vector<16xf32>,
    } {sc.loop_unroll_factor = 4 : i64, sc.parallel_access}
    %gt3A_133 = arith.constant 0 : i32
    %gt3A_134 = arith.cmpi sgt, %sub3A_75, %gt3A_133 : i32
    %convert_element_type3A_135 = arith.extui %gt3A_134 : i1 to i32
    %cond3A_136 = arith.constant 0 : i32
    %cond3A_137 = arith.cmpi ne, %convert_element_type3A_135, %cond3A_136 : i32
    scf.if %cond3A_137 {
      %mul3A_180 = arith.constant 16 : i32
      %mul3A_181 = arith.muli %select_n3A_72, %mul3A_180 : i32
      %iota3A = tpu.iota {dimensions = array<i32: 0>} : vector<16xi32>
      %lt3A_182 = vector.broadcast %sub3A_75 : i32 to vector<16xi32>
      %lt3A_183 = arith.cmpi slt, %iota3A, %lt3A_182 : vector<16xi32>
      %get3A = arith.index_cast %mul3A_181 : i32 to index
      %get3A_184 = tpu.vector_load %arg7[%get3A] {strides = array<i32>} : memref<4112xi32, #tpu.memory_space<vmem>>, vector<16xi32>,
      %jit3A_185 = arith.constant 0 : i32
      %broadcast_in_dim3A = vector.broadcast %jit3A_185 : i32 to vector<16xi32>
      %select_n3A_186 = arith.select %lt3A_183, %get3A_184, %broadcast_in_dim3A : vector<16xi1>, vector<16xi32>
      %broadcast_in_dim3A_187 = arith.constant 0.000000e+00 : f32
      %broadcast_in_dim3A_188 = vector.broadcast %broadcast_in_dim3A_187 : f32 to vector<16xf32>
      %broadcast_in_dim3A_189 = arith.constant 4 : i32
      %broadcast_in_dim3A_190 = vector.broadcast %broadcast_in_dim3A_189 : i32 to vector<16xi32>
      %gather3A = tpu.vector_load_idx %arg8[%broadcast_in_dim3A_190, %select_n3A_186] : memref<8x2048xf32, #tpu.memory_space<vmem>>[vector<16xi32>, vector<16xi32>], vector<16xf32>,
      %select_n3A_191 = arith.select %lt3A_183, %gather3A, %broadcast_in_dim3A_188 : vector<16xi1>, vector<16xf32>
      %swap3A = arith.constant 4 : i32
      %swap3A_192 = arith.index_cast %swap3A : i32 to index
      %swap3A_193 = arith.index_cast %mul3A_181 : i32 to index
      %swap3A_194 = tpu.vector_load %arg9[%swap3A_192, %swap3A_193] {strides = array<i32>} : memref<8x4096xf32, #tpu.memory_space<vmem>>, vector<16xf32>,
      tpu.vector_store %arg9[%swap3A_192, %swap3A_193], %select_n3A_191 {strides = array<i32>} : memref<8x4096xf32, #tpu.memory_space<vmem>>, vector<16xf32>,
      %broadcast_in_dim3A_195 = arith.constant 5 : i32
      %broadcast_in_dim3A_196 = vector.broadcast %broadcast_in_dim3A_195 : i32 to vector<16xi32>
      %gather3A_197 = tpu.vector_load_idx %arg8[%broadcast_in_dim3A_196, %select_n3A_186] : memref<8x2048xf32, #tpu.memory_space<vmem>>[vector<16xi32>, vector<16xi32>], vector<16xf32>,
      %select_n3A_198 = arith.select %lt3A_183, %gather3A_197, %broadcast_in_dim3A_188 : vector<16xi1>, vector<16xf32>
      %swap3A_199 = arith.constant 5 : i32
      %swap3A_200 = arith.index_cast %swap3A_199 : i32 to index
      %swap3A_201 = arith.index_cast %mul3A_181 : i32 to index
      %swap3A_202 = tpu.vector_load %arg9[%swap3A_200, %swap3A_201] {strides = array<i32>} : memref<8x4096xf32, #tpu.memory_space<vmem>>, vector<16xf32>,
      tpu.vector_store %arg9[%swap3A_200, %swap3A_201], %select_n3A_198 {strides = array<i32>} : memref<8x4096xf32, #tpu.memory_space<vmem>>, vector<16xf32>,
      %broadcast_in_dim3A_203 = arith.constant 6 : i32
      %broadcast_in_dim3A_204 = vector.broadcast %broadcast_in_dim3A_203 : i32 to vector<16xi32>
      %gather3A_205 = tpu.vector_load_idx %arg8[%broadcast_in_dim3A_204, %select_n3A_186] : memref<8x2048xf32, #tpu.memory_space<vmem>>[vector<16xi32>, vector<16xi32>], vector<16xf32>,
      %select_n3A_206 = arith.select %lt3A_183, %gather3A_205, %broadcast_in_dim3A_188 : vector<16xi1>, vector<16xf32>
      %swap3A_207 = arith.constant 6 : i32
      %swap3A_208 = arith.index_cast %swap3A_207 : i32 to index
      %swap3A_209 = arith.index_cast %mul3A_181 : i32 to index
      %swap3A_210 = tpu.vector_load %arg9[%swap3A_208, %swap3A_209] {strides = array<i32>} : memref<8x4096xf32, #tpu.memory_space<vmem>>, vector<16xf32>,
      tpu.vector_store %arg9[%swap3A_208, %swap3A_209], %select_n3A_206 {strides = array<i32>} : memref<8x4096xf32, #tpu.memory_space<vmem>>, vector<16xf32>,
      %broadcast_in_dim3A_211 = arith.constant 7 : i32
      %broadcast_in_dim3A_212 = vector.broadcast %broadcast_in_dim3A_211 : i32 to vector<16xi32>
      %gather3A_213 = tpu.vector_load_idx %arg8[%broadcast_in_dim3A_212, %select_n3A_186] : memref<8x2048xf32, #tpu.memory_space<vmem>>[vector<16xi32>, vector<16xi32>], vector<16xf32>,
      %select_n3A_214 = arith.select %lt3A_183, %gather3A_213, %broadcast_in_dim3A_188 : vector<16xi1>, vector<16xf32>
      %swap3A_215 = arith.constant 7 : i32
      %swap3A_216 = arith.index_cast %swap3A_215 : i32 to index
      %swap3A_217 = arith.index_cast %mul3A_181 : i32 to index
      %swap3A_218 = tpu.vector_load %arg9[%swap3A_216, %swap3A_217] {strides = array<i32>} : memref<8x4096xf32, #tpu.memory_space<vmem>>, vector<16xf32>,
      tpu.vector_store %arg9[%swap3A_216, %swap3A_217], %select_n3A_214 {strides = array<i32>} : memref<8x4096xf32, #tpu.memory_space<vmem>>, vector<16xf32>,
    } else {
    }
    %parallel_loop3A_138 = arith.constant 256 : i32
    %parallel_loop3A_139 = arith.constant 1 : i32
    scf.for %parallel_loop3A_180 = %select_n3A_103 to %parallel_loop3A_138 step %parallel_loop3A_139  : i32 {
      %parallel_loop3A_181 = arith.constant 16 : i32
      %parallel_loop3A_182 = arith.muli %parallel_loop3A_180, %parallel_loop3A_181 : i32
      %parallel_loop3A_183 = arith.constant 0.000000e+00 : f32
      %parallel_loop3A_184 = vector.broadcast %parallel_loop3A_183 : f32 to vector<16xf32>
      %parallel_loop3A_185 = arith.constant 4 : i32
      %parallel_loop3A_186 = arith.index_cast %parallel_loop3A_185 : i32 to index
      %parallel_loop3A_187 = arith.index_cast %parallel_loop3A_182 : i32 to index
      %parallel_loop3A_188 = tpu.vector_load %arg9[%parallel_loop3A_186, %parallel_loop3A_187] {strides = array<i32>} : memref<8x4096xf32, #tpu.memory_space<vmem>>, vector<16xf32>,
      tpu.vector_store %arg9[%parallel_loop3A_186, %parallel_loop3A_187], %parallel_loop3A_184 {strides = array<i32>} : memref<8x4096xf32, #tpu.memory_space<vmem>>, vector<16xf32>,
      %parallel_loop3A_189 = arith.constant 5 : i32
      %parallel_loop3A_190 = arith.index_cast %parallel_loop3A_189 : i32 to index
      %parallel_loop3A_191 = arith.index_cast %parallel_loop3A_182 : i32 to index
      %parallel_loop3A_192 = tpu.vector_load %arg9[%parallel_loop3A_190, %parallel_loop3A_191] {strides = array<i32>} : memref<8x4096xf32, #tpu.memory_space<vmem>>, vector<16xf32>,
      tpu.vector_store %arg9[%parallel_loop3A_190, %parallel_loop3A_191], %parallel_loop3A_184 {strides = array<i32>} : memref<8x4096xf32, #tpu.memory_space<vmem>>, vector<16xf32>,
      %parallel_loop3A_193 = arith.constant 6 : i32
      %parallel_loop3A_194 = arith.index_cast %parallel_loop3A_193 : i32 to index
      %parallel_loop3A_195 = arith.index_cast %parallel_loop3A_182 : i32 to index
      %parallel_loop3A_196 = tpu.vector_load %arg9[%parallel_loop3A_194, %parallel_loop3A_195] {strides = array<i32>} : memref<8x4096xf32, #tpu.memory_space<vmem>>, vector<16xf32>,
      tpu.vector_store %arg9[%parallel_loop3A_194, %parallel_loop3A_195], %parallel_loop3A_184 {strides = array<i32>} : memref<8x4096xf32, #tpu.memory_space<vmem>>, vector<16xf32>,
      %parallel_loop3A_197 = arith.constant 7 : i32
      %parallel_loop3A_198 = arith.index_cast %parallel_loop3A_197 : i32 to index
      %parallel_loop3A_199 = arith.index_cast %parallel_loop3A_182 : i32 to index
      %parallel_loop3A_200 = tpu.vector_load %arg9[%parallel_loop3A_198, %parallel_loop3A_199] {strides = array<i32>} : memref<8x4096xf32, #tpu.memory_space<vmem>>, vector<16xf32>,
      tpu.vector_store %arg9[%parallel_loop3A_198, %parallel_loop3A_199], %parallel_loop3A_184 {strides = array<i32>} : memref<8x4096xf32, #tpu.memory_space<vmem>>, vector<16xf32>,
    } {sc.loop_unroll_factor = 4 : i64, sc.parallel_access}
    %mul3A_140 = arith.constant 8 : i32
    %mul3A_141 = arith.muli %select_n3A_30, %mul3A_140 : i32
    %add3A_142 = arith.constant 4 : i32
    %add3A_143 = arith.addi %mul3A_141, %add3A_142 : i32
    %dma_start3A_144 = arith.constant 4 : i32
    %dma_start3A_145 = arith.constant 0 : i32
    %dma_start3A_146 = tpu.memref_slice %arg9[%dma_start3A_144, %dma_start3A_145] : memref<8x4096xf32, #tpu.memory_space<vmem>> -> memref<4x4096xf32, #tpu.memory_space<vmem>>
    %dma_start3A_147 = arith.constant 0 : i32
    %dma_start3A_148 = tpu.memref_slice %arg4[%select_n3A, %add3A_143, %dma_start3A_147] : memref<4x64x4096xf32, #tpu.memory_space<hbm>> -> memref<1x4x4096xf32, #tpu.memory_space<hbm>>
    %dma_start3A_149 = tpu.memref_squeeze %dma_start3A_148 : memref<1x4x4096xf32, #tpu.memory_space<hbm>> -> memref<4x4096xf32, #tpu.memory_space<hbm>>
    %dma_start3A_150 = arith.constant 0 : i32
    %dma_start3A_151 = tpu.memref_slice %arg4[%select_n3A, %add3A_143, %dma_start3A_150] : memref<4x64x4096xf32, #tpu.memory_space<hbm>> -> memref<1x4x4096xf32, #tpu.memory_space<hbm>>
    %dma_start3A_152 = tpu.memref_squeeze %dma_start3A_151 : memref<1x4x4096xf32, #tpu.memory_space<hbm>> -> memref<4x4096xf32, #tpu.memory_space<hbm>>
    %dma_start3A_153 = arith.constant 4 : i32
    %dma_start3A_154 = arith.constant 0 : i32
    %dma_start3A_155 = tpu.memref_slice %arg9[%dma_start3A_153, %dma_start3A_154] : memref<8x4096xf32, #tpu.memory_space<vmem>> -> memref<4x4096xf32, #tpu.memory_space<vmem>>
    tpu.enqueue_dma source(%dma_start3A_155 : memref<4x4096xf32, #tpu.memory_space<vmem>>) target(%dma_start3A_152 : memref<4x4096xf32, #tpu.memory_space<hbm>>) target_semaphore(%arg11 : memref<!tpu.dma_semaphore, #tpu.memory_space<semaphore_mem>>)
    %dma_wait3A_156 = arith.constant 0 : i32
    %dma_wait3A_157 = arith.constant 0 : i32
    %dma_wait3A_158 = tpu.memref_slice %arg9[%dma_wait3A_156, %dma_wait3A_157] : memref<8x4096xf32, #tpu.memory_space<vmem>> -> memref<4x4096xf32, #tpu.memory_space<vmem>>
    %dma_wait3A_159 = arith.constant 0 : i32
    %dma_wait3A_160 = tpu.memref_slice %arg4[%select_n3A, %add3A_118, %dma_wait3A_159] : memref<4x64x4096xf32, #tpu.memory_space<hbm>> -> memref<1x4x4096xf32, #tpu.memory_space<hbm>>
    %dma_wait3A_161 = tpu.memref_squeeze %dma_wait3A_160 : memref<1x4x4096xf32, #tpu.memory_space<hbm>> -> memref<4x4096xf32, #tpu.memory_space<hbm>>
    %dma_wait3A_162 = arith.constant 0 : i32
    %dma_wait3A_163 = tpu.memref_slice %arg4[%select_n3A, %add3A_118, %dma_wait3A_162] : memref<4x64x4096xf32, #tpu.memory_space<hbm>> -> memref<1x4x4096xf32, #tpu.memory_space<hbm>>
    %dma_wait3A_164 = tpu.memref_squeeze %dma_wait3A_163 : memref<1x4x4096xf32, #tpu.memory_space<hbm>> -> memref<4x4096xf32, #tpu.memory_space<hbm>>
    %dma_wait3A_165 = arith.constant 0 : i32
    %dma_wait3A_166 = arith.constant 0 : i32
    %dma_wait3A_167 = tpu.memref_slice %arg9[%dma_wait3A_165, %dma_wait3A_166] : memref<8x4096xf32, #tpu.memory_space<vmem>> -> memref<4x4096xf32, #tpu.memory_space<vmem>>
    tpu.wait_dma2 semaphore(%arg11 : memref<!tpu.dma_semaphore, #tpu.memory_space<semaphore_mem>>) src(%dma_wait3A_167 : memref<4x4096xf32, #tpu.memory_space<vmem>>) dst(%dma_wait3A_164 : memref<4x4096xf32, #tpu.memory_space<hbm>>)
    %dma_wait3A_168 = arith.constant 4 : i32
    %dma_wait3A_169 = arith.constant 0 : i32
    %dma_wait3A_170 = tpu.memref_slice %arg9[%dma_wait3A_168, %dma_wait3A_169] : memref<8x4096xf32, #tpu.memory_space<vmem>> -> memref<4x4096xf32, #tpu.memory_space<vmem>>
    %dma_wait3A_171 = arith.constant 0 : i32
    %dma_wait3A_172 = tpu.memref_slice %arg4[%select_n3A, %add3A_143, %dma_wait3A_171] : memref<4x64x4096xf32, #tpu.memory_space<hbm>> -> memref<1x4x4096xf32, #tpu.memory_space<hbm>>
    %dma_wait3A_173 = tpu.memref_squeeze %dma_wait3A_172 : memref<1x4x4096xf32, #tpu.memory_space<hbm>> -> memref<4x4096xf32, #tpu.memory_space<hbm>>
    %dma_wait3A_174 = arith.constant 0 : i32
    %dma_wait3A_175 = tpu.memref_slice %arg4[%select_n3A, %add3A_143, %dma_wait3A_174] : memref<4x64x4096xf32, #tpu.memory_space<hbm>> -> memref<1x4x4096xf32, #tpu.memory_space<hbm>>
    %dma_wait3A_176 = tpu.memref_squeeze %dma_wait3A_175 : memref<1x4x4096xf32, #tpu.memory_space<hbm>> -> memref<4x4096xf32, #tpu.memory_space<hbm>>
    %dma_wait3A_177 = arith.constant 4 : i32
    %dma_wait3A_178 = arith.constant 0 : i32
    %dma_wait3A_179 = tpu.memref_slice %arg9[%dma_wait3A_177, %dma_wait3A_178] : memref<8x4096xf32, #tpu.memory_space<vmem>> -> memref<4x4096xf32, #tpu.memory_space<vmem>>
    tpu.wait_dma2 semaphore(%arg11 : memref<!tpu.dma_semaphore, #tpu.memory_space<semaphore_mem>>) src(%dma_wait3A_179 : memref<4x4096xf32, #tpu.memory_space<vmem>>) dst(%dma_wait3A_176 : memref<4x4096xf32, #tpu.memory_space<hbm>>)
    return
  }
}

</mosaic_0001>

<sc_bundles>
// kernel: kernel.3.cloned.1.call-start
scs
__scs_entry_jumppad:
0x0: {  	(pc) =	sbr.rel $0x88, $3  }
0x1: {  	(tag) =	ssettag $0x0;
	lr =	simm.s32 $0x1  }
0x2: {  	[smem:$0x3F9F] =	sst lr;
	_ =	strace $0xD0000000  }
0x3: {  	_ = 	snop  }
0x4: {  	_ = 	snop  }
0x5: {  	_ = 	snop  }
0x6: {  	_ = 	snop  }
0x7: {  	_ = 	snop  }
__scs_overlays_trampoline_lowered:
0x8: {  	[smem:$0x3FAE] =	sst s0  }
0x9: {  	[smem:$0x3FAF] =	sst s1  }
0xa: {  	[smem:$0x3FB0] =	sst s2  }
0xb: {  	[smem:$0x3FB1] =	sst s3  }
0xc: {  	[smem:$0x3FB2] =	sst s4  }
0xd: {  	[smem:$0x3FB3] =	sst s5  }
0xe: {  	[smem:$0x3FB4] =	sst s6  }
0xf: {  	[smem:$0x3FB5] =	sst s7  }
0x10: {  	[smem:$0x3FB6] =	sst s8  }
0x11: {  	[smem:$0x3FB7] =	sst s9;
	s0 =	simm.s32 @!p0 $0x0  }
0x12: {  	s1 =	sld [smem:$0x3F9D];
	s0 =	simm.s32 @p0 $0x1  }
0x13: {  	[smem:$0x3FB8] =	sst s0;
	s0 =	simm.s32 @!p1 $0x0  }
0x14: {  	s2 =	sld [smem:$0x3F9C];
	s0 =	simm.s32 @p1 $0x1  }
0x15: {  	[smem:$0x3FB9] =	sst s0;
	s0 =	simm.s32 @!p2 $0x0  }
0x16: {  	s3 =	sld [smem:$0x3FDB];
	s0 =	simm.s32 @p2 $0x1  }
0x17: {  	s4 =	simm.s32 $0x1BF5;
	[smem:$0x3FBB] =	sst s0  }
0x18: {  	s0 =	sld [smem:$0x3F9E];
	_ =	swait.ge [sflag:s4], $0x0  }
0x19: {  	s7 =	sld [smem:$0x3F9F]  }
0x1a: {  	s8 =	sadd.s32 $0xFFFFE003, lr  }
0x1b: {  	s9 =	sadd.s32 $0xFFFFFEF7, lr;
	s5 =	simm.s32 $0xFFFFFFFF;
	p2 =	slt.u32 s8, $0xFFFFF086  }
0x1c: {  	p1 =	slt.u32 s9, $0xF7A;
	s5 =	simm.s32 @!p2 $0x0  }
0x1d: {  	s5 =	simm.s32 @p1 $0x1;
	p0 =	seq.s32 s7, s2  }
0x1e: {  	s7 =	smul.u32 @!p0 $0xF7A, s2;
	p2 =	seq.s32 @!p0 s5, $0x0  }
0x1f: {  	s9 =	smul.u32 $0xF7A, s1;
	s8 =	simm.s32 @!p0 $0x1BF5;
	p2 =	por !p2, p0  }
0x20: {  	[sflag:s8] =	ssyncset.s32 @!p0 $0xFFFFF086;
	s6 =	sadd.s32 @!p0 s3, s7;
	s7 =	simm.s32 @!p0 $0x108  }
0x21: {  	s3 =	sadd.s32 s3, s9;
	s6 =	sadd.s32 @!p0 $0x88, s6;
	s7 =	simm.s32 @p2 $0x1082  }
0x22: {  	[simem:s7], [sflag:s8] =	dma.local @!p0 [hbm:s6], $0xF7A  }
0x23: {  	s9 =	sor.u32 $0xD0000000, s2;
	s6 =	simm.s32 $0x108;
	_ =	swait.ge @!p0 [sflag:s8], $0x0  }
0x24: {  	s3 =	sadd.s32 $0x88, s3;
	s6 =	simm.s32 @!p1 $0x1082;
	[sflag:s4] =	ssyncset.s32 $0xFFFFF086  }
0x25: {  	[simem:s6], [sflag:s4] =	dma.local [hbm:s3], $0xF7A  }
0x26: {  	[smem:$0x3F9F] =	sst s1;
	(tag) =	ssettag s2;
	_ =	strace s9  }
0x27: {  	s1 =	sld [smem:$0x3FAF]  }
0x28: {  	s2 =	sld [smem:$0x3FB0]  }
0x29: {  	s4 =	sld [smem:$0x3FB2]  }
0x2a: {  	p0 =	seq.s32 s5, $0x0;
	s5 =	sld [smem:$0x3FB3]  }
0x2b: {  	s6 =	sld [smem:$0x3FB4]  }
0x2c: {  	s7 =	sld [smem:$0x3FB5]  }
0x2d: {  	s3 =	simm.s32 $0x108;
	s8 =	sld [smem:$0x3FB6]  }
0x2e: {  	s3 =	simm.s32 @!p0 $0x1082;
	s9 =	sld [smem:$0x3FB7]  }
0x2f: {  	lr =	sadd.s32 s0, s3;
	s0 =	sld [smem:$0x3FAE]  }
0x30: {  	s3 =	sld [smem:$0x3FB1]  }
0x31: {  	[smem:$0x3FBA] =	sst s10  }
0x32: {  	s10 =	sld [smem:$0x3FB8];
	_ =	sdelay $0x3  }
0x33: {  	p0 =	seq.s32 s10, $0x1;
	s10 =	sld [smem:$0x3FBA];
	_ =	sdelay $0x3  }
0x34: {  	[smem:$0x3FBA] =	sst s10  }
0x35: {  	s10 =	sld [smem:$0x3FB9];
	_ =	sdelay $0x3  }
0x36: {  	p1 =	seq.s32 s10, $0x1;
	s10 =	sld [smem:$0x3FBA];
	_ =	sdelay $0x3  }
0x37: {  	[smem:$0x3FBA] =	sst s10  }
0x38: {  	s10 =	sld [smem:$0x3FBB]  }
0x39: {  	_ = 	snop;
	(pc) =	sbr.ind lr, $3  }
0x3a: {  	_ = 	snop  }
0x3b: {  	_ = 	snop  }
0x3c: {  	p2 =	seq.s32 s10, $0x1;
	s10 =	sld [smem:$0x3FBA]  }
0x3d: {  	_ =	shalt  }
0x3e: {  	_ =	shalt  }
0x3f: {  	_ =	shalt  }
0x40: {  	_ =	shalt  }
0x41: {  	_ =	shalt  }
0x42: {  	_ =	shalt  }
0x43: {  	_ =	shalt  }
0x44: {  	_ =	shalt  }
0x45: {  	_ =	shalt  }
0x46: {  	_ =	shalt  }
0x47: {  	_ =	shalt  }
0x48: {  	_ =	shalt  }
0x49: {  	_ =	shalt  }
0x4a: {  	_ =	shalt  }
0x4b: {  	_ =	shalt  }
0x4c: {  	_ =	shalt  }
0x4d: {  	_ =	shalt  }
0x4e: {  	_ =	shalt  }
0x4f: {  	_ =	shalt  }
0x50: {  	_ =	shalt  }
0x51: {  	_ =	shalt  }
0x52: {  	_ =	shalt  }
0x53: {  	_ =	shalt  }
0x54: {  	_ =	shalt  }
0x55: {  	_ =	shalt  }
0x56: {  	_ =	shalt  }
0x57: {  	_ =	shalt  }
0x58: {  	_ =	shalt  }
0x59: {  	_ =	shalt  }
0x5a: {  	_ =	shalt  }
0x5b: {  	_ =	shalt  }
0x5c: {  	_ =	shalt  }
0x5d: {  	_ =	shalt  }
0x5e: {  	_ =	shalt  }
0x5f: {  	_ =	shalt  }
0x60: {  	_ =	shalt  }
0x61: {  	_ =	shalt  }
0x62: {  	_ =	shalt  }
0x63: {  	_ =	shalt  }
0x64: {  	_ =	shalt  }
0x65: {  	_ =	shalt  }
0x66: {  	_ =	shalt  }
0x67: {  	_ =	shalt  }
0x68: {  	_ =	shalt  }
0x69: {  	_ =	shalt  }
0x6a: {  	_ =	shalt  }
0x6b: {  	_ =	shalt  }
0x6c: {  	_ =	shalt  }
0x6d: {  	_ =	shalt  }
0x6e: {  	_ =	shalt  }
0x6f: {  	_ =	shalt  }
0x70: {  	_ =	shalt  }
0x71: {  	_ =	shalt  }
0x72: {  	_ =	shalt  }
0x73: {  	_ =	shalt  }
0x74: {  	_ =	shalt  }
0x75: {  	_ =	shalt  }
0x76: {  	_ =	shalt  }
0x77: {  	_ =	shalt  }
0x78: {  	_ =	shalt  }
0x79: {  	_ =	shalt  }
0x7a: {  	_ =	shalt  }
0x7b: {  	_ =	shalt  }
0x7c: {  	_ =	shalt  }
0x7d: {  	_ =	shalt  }
0x7e: {  	_ =	shalt  }
0x7f: {  	_ =	shalt  }
0x80: {  	_ =	shalt  }
0x81: {  	_ =	shalt  }
0x82: {  	_ =	shalt  }
0x83: {  	_ =	shalt  }
0x84: {  	_ =	shalt  }
0x85: {  	_ =	shalt  }
0x86: {  	_ =	shalt  }
0x87: {  	_ =	shalt  }
.Lfunc_end0:
.L_simem_size_0:
called_computation_lowered:
.L_overlay_start_0:
0x88: {  	s2 =	sld [smem:$0x3FD9]  }
0x89: {  	s3 =	sld [smem:$0x3FFE];
	_ =	sdelay $0x1  }
0x8a: {  	s1 =	srdreg.scid  }
0x8b: {  	s0 =	sand.u32 $0x1, s1  }
0x8c: {  	s18 =	sshll.u32 s0, $0xA;
	s2 =	sadd.s32 s3, s2  }
0x8d: {  	s2 =	sadd.s32 s2, s18  }
0x8e: {  	[smem:$0x3FC6] =	sst s2  }
0x8f: {  	_ = 	snop  }
0x90: {  	s2 =	sld [smem:$0x3FC9]  }
0x91: {  	s19 =	sld [smem:$0x3FC8]  }
0x92: {  	s4 =	sld [smem:$0x3FD0];
	(tm) =	ssettm $0x1  }
0x93: {  	s5 =	sld [smem:$0x3FFB];
	_ =	sdelay $0x3  }
0x94: {  	_ =	strace s5  }
0x95: {  	s5 =	sld [smem:$0x3FFC];
	_ =	sdelay $0x3  }
0x96: {  	_ =	strace s5  }
0x97: {  	s5 =	sld [smem:$0x3FFD];
	_ =	sdelay $0x3  }
0x98: {  	_ =	strace s5  }
0x99: {  	_ =	strace $0x8FFFFFFF  }
0x9a: {  	s20 =	sld [smem:$0x3FDB];
	_ =	sdelay $0x1  }
0x9b: {  	s6 =	simm.s32 $_scs_section_size  }
0x9c: {  	s7 =	simm.s32 $_size__tile_overlayer_lowered;
	s8 =	simm.s32 $_tile_overlayer_lowered  }
0x9d: {  	s23 =	simm.s32 $0x1BFF;
	s22 =	sshll.u32 s8, $0x1;
	s5 =	sadd.s32 s6, s20  }
0x9e: {  	s9 =	simm.s32 $0x0;
	s21 =	sshll.u32 s7, $0x1;
	s7 =	sadd.s32 s22, s5  }
0x9f: {  	[timem:s9], [sflag:s23] =	dma.local [hbm:s7], s21  }
0xa0: {  	_ =	swait.ge [sflag:s23], s21  }
0xa1: {  	s6 =	ssub.s32 $0x0, s21;
	[sflag:s23] =	ssyncset.done $0x0  }
0xa2: {  	[sflag:s23] =	ssyncadd.s32 s6;
	_ =	sdelay $0x1  }
0xa3: {  	s24 =	simm.s32 $0x1B8B  }
0xa4: {  	_ =	swait.ge [sflag:s24], $0x1  }
0xa5: {  	[sflag:s24] =	ssyncset.done $0x0  }
0xa6: {  	s25 =	simm.s32 $0x1B8E;
	[sflag:s24] =	ssyncadd.s32 $0xFFFFFFFF  }
0xa7: {  	s26 =	simm.s32 $execute0_lowered;
	[smem:$0x3FD2] =	sst s25  }
0xa8: {  	s6 =	sshll.u32 s26, $0x1;
	_ =	strace $0x80000046;
	[dreg:$0x1] =	wrdreg $0xFFFFFFFF  }
0xa9: {  	s28 =	simm.s32 $_size_execute0_lowered;
	s5 =	sadd.s32 s5, s6;
	[dreg:$0x0] =	wrdreg $0x0  }
0xaa: {  	s6 =	sshll.u32 s28, $0x1;
	[dreg:$0x2] =	wrdreg s5  }
0xab: {  	[dreg:$0x3] =	wrdreg s6  }
0xac: {  	[dreg:$0x4] =	wrdreg $0xC0  }
0xad: {  	_ =	task [dreg:s9], $0x5FFFF  }
0xae: {  	[dreg:$0x1] =	wrdreg $0xFFFFFFFF  }
0xaf: {  	[dreg:$0x0] =	wrdreg $0x60  }
0xb0: {  	[dreg:$0x2] =	wrdreg s2  }
0xb1: {  	[dreg:$0x3] =	wrdreg s19  }
0xb2: {  	[dreg:$0x4] =	wrdreg s4  }
0xb3: {  	[dreg:$0x5] =	wrdreg $0x9  }
0xb4: {  	_ =	task.clear_ibuf [dreg:s9], $0x6FFFF;
	_ =	strace $0x90000046  }
0xb5: {  	s29 =	simm.s32 $0x9;
	_ =	strace $0x80000048  }
0xb6: {  	_ =	swait.ge [sflag:s29], $0x1  }
0xb7: {  	[sflag:s29] =	ssyncadd.s32 $0xFFFFFFFF  }
0xb8: {  	_ =	strace $0x90000048  }
0xb9: {  	_ =	sfence  }
0xba: {  	s30 =	sld [smem:$0x0];
	_ =	sdelay $0x2  }
0xbb: {  	s31 =	sshll.u32 s1, $0xD;
	s1 =	sshrl.u32 s1, $0x2  }
0xbc: {  	s3 =	sand.u32 $0x4000, s31;
	s1 =	sadd.s32 s1, s30  }
0xbd: {  	s0 =	sor.u32 s3, s0;
	s1 =	sshll.u32 s1, $0x11  }
0xbe: {  	s0 =	sor.u32 s1, s0  }
0xbf: {  	s0 =	sadd.s32 $0x8F2B, s0  }
0xc0: {  	[sflag:s0] =	ssyncadd.remote.s32 $0x1  }
0xc1: {  	_ =	sfence.sel $0xFFFF  }
0xc2: {  	[dreg:$0x0] =	wrdreg $0xFFFFFFFF;
	(pc) =	sbr.abs _section_cstart, $3  }
0xc3: {  	[dreg:$0x1] =	wrdreg $0xFFFFFFFF  }
0xc4: {  	_ =	task.clear_ibuf [dreg:s9], $0x2FFFF;
	_ =	strace $0x9FFFFFFF  }
0xc5: {  	(tm) =	ssettm $0x7FFFFFFF  }
tec
execute0_lowered:
.L_overlay_start_1:
0x0: {  	(tag) =	ssettag $0x1  }
0x1: {  	s0 =	rddreg [dreg:$0x0]  }
0x2: {  	s1 =	rddreg [dreg:$0x1]  }
0x3: {  	s3 =	rddreg [dreg:$0x2];
	s2 =	simm.s32 $0x0;
	s4 =	srdreg.scid  }
0x4: {  	s8 =	stileid.u32;
	s12 =	simm.s32 $0x800;
	s31 =	simm.s32 $0x2  }
0x5: {  	s30 =	simm.s32 $0x0;
	[smem:$0x7FF] =	sst s2;
	s4 =	sand.u32 $0x1, s4  }
0x6: {  	s5 =	sshll.u32 s8, $0x1;
	s8 =	sshrl.u32 s8, $0x2;
	_ =	strace $0x80000047  }
0x7: {  	s6 =	ssub.s32 $0x2, s4;
	s5 =	sand.u32 $0x6, s5;
	s25 =	sshll.u32 s8, $0xF  }
0x8: {  	s9 =	sshll.u32 s8, $0xE;
	s26 =	sshll.u32 s8, $0x4;
	s7 =	sshrl.u32 s6, $0x1  }
0x9: {  	s4 =	sor.u32 s4, s5;
	s0 =	sadd.s32 s0, s9;
	s28 =	sadd.s32 s1, s26  }
0xa: {  	s23 =	ssub.s32 s6, s7;
	s24 =	sshll.u32 s4, $0xC;
	s4 =	sshll.u32 s4, $0xB  }
0xb: {  	[dreg:$0x5] =	wrdreg s28;
	s6 =	sor.u32 s25, s24;
	s0 =	sadd.s32 s4, s0  }
0xc: {  	s29 =	smax.u32 s23, $0x1;
	s3 =	sadd.s32 s3, s6;
	[dreg:$0x4] =	wrdreg s0  }
0xd: {  	v0 =	vlaneseq.u32;
	v1 =	vimm.f32 $0.0e+00;
	s8 =	simm.s32 $0x1880;
	[dreg:$0x6] =	wrdreg s29;
	s6 =	sadd.s32 $0x40, s3  }
.LBB2_1:
0xe: {  	s0 =	rddreg [dreg:$0x4]  }
0xf: {  	s21 =	rddreg [dreg:$0x5]  }
0x10: {  	[tilespmem:s8], [sflag:$0x1] =	stream.linear.gather [hbm4b:s0+s2], $0x4000, $0x38;
	[tilespmem:$0xD880] =	vst v63  }
0x11: {  	s1 =	simm.s32 $0x80;
	s4 =	simm.s32 $0x200;
	s22 =	simm.s32 $0x3  }
0x12: {  	[tilespmem:s2], [sflag:$0x3] =	stream.strided.gather [hbm4b:s21+s1], $0x800, s4, s1, $0x38;
	[tilespmem:$0xD880] =	vst v63  }
0x13: {  	_ =	swait.ge [sflag:s22], $0x800  }
0x14: {  	[sflag:s22] =	ssyncset.done $0x0  }
0x15: {  	s23 =	simm.s32 $0x20;
	[sflag:s22] =	ssyncadd.s32 $0xFFFFF800  }
0x16: {  	v2 =	vld [tilespmem:s23+$0xFFFFFFE0];
	_ =	sdelay $0x1  }
0x17: {  	v3 =	vld [tilespmem:s23+$0xFFFFFFF0];
	_ =	sdelay $0x2  }
0x18: {  	(xrf0) =	vadd.scan.msk.s32 $0xffff, v2  }
0x19: {  	v4 =	vld [tilespmem:s23+$0x0]  }
0x1a: {  	s24 =	simm.s32 $0x60;
	v5 =	vld [tilespmem:s23+$0x10];
	(xrf0) =	vadd.scan.msk.s32 $0xffff, v3  }
0x1b: {  	v2 =	vld [tilespmem:s24+$0xFFFFFFE0];
	_ =	sdelay $0x1  }
0x1c: {  	v3 =	vld [tilespmem:s24+$0xFFFFFFF0]  }
0x1d: {  	(xrf0) =	vadd.scan.msk.s32 $0xffff, v4;
	v4 =	vld [tilespmem:s24+$0x0];
	v6, _, _ =	vpop (xrf0)  }
0x1e: {  	s25 =	simm.s32 $0xA0;
	(xrf0) =	vadd.scan.msk.s32 $0xffff, v5;
	v5 =	vld [tilespmem:s24+$0x10];
	(v2sf) =	vpush v6, $0xF  }
0x1f: {  	v7 =	vld [tilespmem:s25+$0xFFFFFFE0];
	(xrf0) =	vadd.scan.msk.s32 $0xffff, v2;
	v2, _, _ =	vpop (xrf0)  }
0x20: {  	v6 =	vld [tilespmem:s25+$0xFFFFFFF0];
	(v2sf) =	vpush v2, $0xF  }
0x21: {  	(xrf0) =	vadd.scan.msk.s32 $0xffff, v3;
	v2 =	vld [tilespmem:s25+$0x0]  }
0x22: {  	(xrf0) =	vadd.scan.msk.s32 $0xffff, v4;
	v4 =	vld [tilespmem:s25+$0x10]  }
0x23: {  	v3, _, _ =	vpop (xrf0);
	(xrf0) =	vadd.scan.msk.s32 $0xffff, v5  }
0x24: {  	s26 =	simm.s32 $0xE0;
	(v2sf) =	vpush v3, $0xF;
	v3, _, _ =	vpop (xrf0);
	(xrf0) =	vadd.scan.msk.s32 $0xffff, v7  }
0x25: {  	(v2sf) =	vpush v3, $0xF;
	v3 =	vld [tilespmem:s26+$0xFFFFFFE0];
	(xrf0) =	vadd.scan.msk.s32 $0xffff, v6  }
0x26: {  	v5, _, _ =	vpop (xrf0);
	(xrf0) =	vadd.scan.msk.s32 $0xffff, v2  }
0x27: {  	(v2sf) =	vpush v5, $0xF;
	v2, _, _ =	vpop (xrf0);
	v5 =	vld [tilespmem:s26+$0xFFFFFFF0];
	(xrf0) =	vadd.scan.msk.s32 $0xffff, v4  }
0x28: {  	v4, _, _ =	vpop (xrf0);
	(v2sf) =	vpush v2, $0xF;
	v2 =	vld [tilespmem:s26+$0x0]  }
0x29: {  	v6 =	vld [tilespmem:s26+$0x10];
	(v2sf) =	vpush v4, $0xF;
	v4, _, _ =	vpop (xrf0)  }
0x2a: {  	s28 =	simm.s32 $0x120;
	(xrf0) =	vadd.scan.msk.s32 $0xffff, v3;
	(v2sf) =	vpush v4, $0xF;
	v3, _, _ =	vpop (xrf0)  }
0x2b: {  	v4 =	vld [tilespmem:s28+$0xFFFFFFE0];
	(v2sf) =	vpush v3, $0xF;
	v3, _, _ =	vpop (xrf0)  }
0x2c: {  	(xrf0) =	vadd.scan.msk.s32 $0xffff, v5;
	v5 =	vld [tilespmem:s28+$0xFFFFFFF0];
	(v2sf) =	vpush v3, $0xF;
	v7, _, _ =	vpop (xrf0)  }
0x2d: {  	(xrf0) =	vadd.scan.msk.s32 $0xffff, v2;
	v3 =	vld [tilespmem:s28+$0x0];
	(v2sf) =	vpush v7, $0xF;
	v7, _, _ =	vpop (xrf0);
	s29 =	spop (v2sf)  }
0x2e: {  	v2 =	vld [tilespmem:s28+$0x10];
	(xrf0) =	vadd.scan.msk.s32 $0xffff, v6;
	(v2sf) =	vpush v7, $0xF;
	[smem:$0x0] =	sst s29  }
0x2f: {  	s0 =	spop (v2sf)  }
0x30: {  	(xrf0) =	vadd.scan.msk.s32 $0xffff, v4;
	v6, _, _ =	vpop (xrf0);
	[smem:$0x1] =	sst s0  }
0x31: {  	(v2sf) =	vpush v6, $0xF;
	_ =	sdelay $0x6  }
0x32: {  	s4 =	simm.s32 $0x14;
	s1 =	simm.s32 $0x160;
	s0 =	spop (v2sf)  }
0x33: {  	v4 =	vld [tilespmem:s1+$0xFFFFFFE0];
	(xrf0) =	vadd.scan.msk.s32 $0xffff, v5;
	v5, _, _ =	vpop (xrf0);
	[smem:s31] =	sst s0;
	s5 =	spop (v2sf);
	s0 =	simm.s32 $0x2  }
.LBB2_2:
0x34: {  	s4 =	sadd.s32 $0x4, s4  }
0x35: {  	v6 =	vld [tilespmem:s1+$0xFFFFFFF0];
	(xrf0) =	vadd.scan.msk.s32 $0xffff, v3;
	(v2sf) =	vpush v5, $0xF;
	v5, _, _ =	vpop (xrf0);
	[smem:s0+$0x1] =	sst s5;
	s0 =	sadd.s32 $0x4, s0;
	p0 =	slt.u32 s4, $0x7C  }
.Ltmp0:
0x36: {  	v3 =	vld [tilespmem:s1+$0x0];
	(xrf0) =	vadd.scan.msk.s32 $0xffff, v2;
	(v2sf) =	vpush v5, $0xF;
	v5, _, _ =	vpop (xrf0);
	(pc) =	sbr.rel @p0 .LBB2_2-.Ltmp0, $4  }
0x37: {  	v2 =	vld [tilespmem:s1+$0x10];
	(v2sf) =	vpush v5, $0xF;
	s5 =	spop (v2sf)  }
0x38: {  	[smem:s0+$0xFFFFFFFE] =	sst s5;
	s5 =	spop (v2sf)  }
0x39: {  	s1 =	sadd.s32 $0x40, s1;
	(xrf0) =	vadd.scan.msk.s32 $0xffff, v4;
	v5, _, _ =	vpop (xrf0);
	[smem:s0+$0xFFFFFFFF] =	sst s5;
	s5 =	spop (v2sf)  }
0x3a: {  	v4 =	vld [tilespmem:s1+$0xFFFFFFE0];
	(xrf0) =	vadd.scan.msk.s32 $0xffff, v6;
	(v2sf) =	vpush v5, $0xF;
	v5, _, _ =	vpop (xrf0);
	[smem:s0] =	sst s5;
	s5 =	spop (v2sf)  }
0x3b: {  	v6 =	vld [tilespmem:s1+$0xFFFFFFF0]  }
0x3c: {  	v7 =	vld [tilespmem:s1+$0x0];
	(xrf0) =	vadd.scan.msk.s32 $0xffff, v3  }
0x3d: {  	v3 =	vld [tilespmem:s1+$0x10];
	(xrf0) =	vadd.scan.msk.s32 $0xffff, v2  }
0x3e: {  	(v2sf) =	vpush v5, $0xF;
	v2, _, _ =	vpop (xrf0)  }
0x3f: {  	(v2sf) =	vpush v2, $0xF;
	v2, _, _ =	vpop (xrf0);
	(xrf0) =	vadd.scan.msk.s32 $0xffff, v4  }
0x40: {  	(v2sf) =	vpush v2, $0xF;
	v2, _, _ =	vpop (xrf0);
	(xrf0) =	vadd.scan.msk.s32 $0xffff, v6  }
0x41: {  	(v2sf) =	vpush v2, $0xF;
	v2, _, _ =	vpop (xrf0);
	(xrf0) =	vadd.scan.msk.s32 $0xffff, v7  }
0x42: {  	(v2sf) =	vpush v2, $0xF;
	(xrf0) =	vadd.scan.msk.s32 $0xffff, v3;
	v3, _, _ =	vpop (xrf0)  }
0x43: {  	(v2sf) =	vpush v3, $0xF;
	v2, _, _ =	vpop (xrf0)  }
0x44: {  	[smem:s0+$0x1] =	sst s5;
	s5 =	sadd.s32 $0x4, s0;
	s7 =	spop (v2sf);
	(v2sf) =	vpush v2, $0xF  }
0x45: {  	[smem:s5+$0xFFFFFFFE] =	sst s7;
	s9 =	spop (v2sf);
	v2, _, _ =	vpop (xrf0)  }
0x46: {  	[smem:s5+$0xFFFFFFFF] =	sst s9;
	s10 =	spop (v2sf);
	(v2sf) =	vpush v2, $0xF;
	v2, _, _ =	vpop (xrf0)  }
0x47: {  	[smem:s5] =	sst s10;
	s11 =	spop (v2sf);
	(v2sf) =	vpush v2, $0xF;
	v2, _, _ =	vpop (xrf0)  }
0x48: {  	s0 =	sadd.s32 $0x4, s5;
	[smem:s5+$0x1] =	sst s11;
	s13 =	spop (v2sf);
	(v2sf) =	vpush v2, $0xF;
	v2, _, _ =	vpop (xrf0)  }
0x49: {  	[smem:s0+$0xFFFFFFFE] =	sst s13;
	s4 =	spop (v2sf);
	(v2sf) =	vpush v2, $0xF  }
0x4a: {  	s14 =	spop (v2sf);
	[smem:s0+$0xFFFFFFFF] =	sst s4  }
0x4b: {  	s15 =	spop (v2sf);
	[smem:s0] =	sst s14  }
0x4c: {  	[smem:s0+$0x1] =	sst s15;
	s0 =	sadd.s32 $0x4, s0;
	s16 =	spop (v2sf)  }
0x4d: {  	[smem:s0+$0xFFFFFFFE] =	sst s16;
	s17 =	spop (v2sf)  }
0x4e: {  	[smem:s0+$0xFFFFFFFF] =	sst s17;
	s18 =	spop (v2sf)  }
0x4f: {  	[smem:s0] =	sst s18;
	s19 =	spop (v2sf)  }
0x50: {  	[smem:s0+$0x1] =	sst s19;
	s0 =	sadd.s32 $0x4, s0;
	s20 =	spop (v2sf)  }
0x51: {  	[smem:s0+$0xFFFFFFFE] =	sst s20;
	s21 =	spop (v2sf)  }
0x52: {  	[smem:s0+$0xFFFFFFFF] =	sst s21;
	s22 =	spop (v2sf)  }
0x53: {  	[smem:s0] =	sst s22;
	s23 =	spop (v2sf)  }
0x54: {  	p1 =	por $0x1, $0x1;
	[smem:s0+$0x1] =	sst s23  }
.Ltmp1:
0x55: {  	s24 =	sadd.s32 $0x4, s0;
	s25 =	spop (v2sf);
	(pc) =	sbr.rel @!p1 .LBB2_4-.Ltmp1, $4  }
0x56: {  	[smem:s24+$0xFFFFFFFE] =	sst s25;
	s26 =	spop (v2sf)  }
0x57: {  	[smem:s24+$0xFFFFFFFF] =	sst s26;
	s28 =	spop (v2sf)  }
0x58: {  	s1 =	simm.s32 $0x4;
	[smem:s24] =	sst s28;
	s29 =	spop (v2sf)  }
0x59: {  	p0 =	por $0x0, $0x0;
	s0 =	simm.s32 $0x0;
	[smem:s24+$0x1] =	sst s29  }
0x5a: {  	s4 =	sld [smem:$0x0]  }
0x5b: {  	[smem:$0x0] =	sst s0  }
0x5c: {  	s5 =	sld [smem:$0x1]  }
0x5d: {  	s4 =	sadd.s32 $0x0, s4  }
0x5e: {  	[smem:$0x1] =	sst s4  }
0x5f: {  	s4 =	sadd.s32 s4, s5;
	s7 =	sld [smem:$0x2]  }
0x60: {  	[smem:$0x2] =	sst s4  }
0x61: {  	s26 =	sld [smem:$0x3]  }
0x62: {  	s4 =	sadd.s32 s4, s7  }
0x63: {  	[smem:$0x3] =	sst s4  }
0x64: {  	s4 =	sadd.s32 s4, s26;
	s28 =	sld [smem:$0x4]  }
0x65: {  	[smem:s1] =	sst s4  }
0x66: {  	s1 =	sld [smem:$0x5]  }
0x67: {  	s4 =	sadd.s32 s4, s28  }
0x68: {  	p2 =	por $0x1, $0x1;
	[smem:$0x5] =	sst s4  }
.Ltmp2:
0x69: {  	s1 =	sadd.s32 s4, s1;
	s29 =	sld [smem:$0x6];
	(pc) =	sbr.rel @!p2 .LBB2_7-.Ltmp2, $4  }
0x6a: {  	[smem:$0x6] =	sst s1  }
0x6b: {  	s5 =	sld [smem:$0x7]  }
0x6c: {  	p1 =	por $0x1, $0x1;
	s7 =	sadd.s32 s1, s29  }
0x6d: {  	s4 =	simm.s32 $0x8;
	s1 =	simm.s32 $0xC;
	[smem:$0x7] =	sst s7  }
.LBB2_6:
0x6e: {  	s4 =	sadd.s32 $0x8, s4;
	s9 =	sld [smem:s1+$0xFFFFFFFC];
	s5 =	sadd.s32 s7, s5  }
0x6f: {  	p2 =	slt.u32 s4, $0x78;
	[smem:s1+$0xFFFFFFFC] =	sst s5  }
0x70: {  	s7 =	sld [smem:s1+$0xFFFFFFFD]  }
0x71: {  	s5 =	sadd.s32 s5, s9  }
0x72: {  	[smem:s1+$0xFFFFFFFD] =	sst s5  }
0x73: {  	s5 =	sadd.s32 s5, s7;
	s7 =	sld [smem:s1+$0xFFFFFFFE]  }
0x74: {  	[smem:s1+$0xFFFFFFFE] =	sst s5  }
0x75: {  	s9 =	sld [smem:s1+$0xFFFFFFFF]  }
0x76: {  	s5 =	sadd.s32 s5, s7  }
0x77: {  	[smem:s1+$0xFFFFFFFF] =	sst s5  }
0x78: {  	s5 =	sadd.s32 s5, s9;
	s7 =	sld [smem:s1+$0x0]  }
0x79: {  	[smem:s1] =	sst s5  }
0x7a: {  	s9 =	sld [smem:s1+$0x1]  }
0x7b: {  	s5 =	sadd.s32 s5, s7  }
0x7c: {  	[smem:s1+$0x1] =	sst s5  }
.Ltmp3:
0x7d: {  	s7 =	sadd.s32 s5, s9;
	s9 =	sld [smem:s1+$0x2];
	(pc) =	sbr.rel @p2 .LBB2_6-.Ltmp3, $4  }
0x7e: {  	[smem:s1+$0x2] =	sst s7  }
0x7f: {  	s5 =	sld [smem:s1+$0x3]  }
0x80: {  	s7 =	sadd.s32 s7, s9  }
0x81: {  	[smem:s1+$0x3] =	sst s7;
	s1 =	sadd.s32 $0x8, s1  }
.LBB2_7:
0x82: {  	s4 =	sld [smem:s1+$0xFFFFFFFC];
	s5 =	sadd.s32 @p1 s7, s5;
	s7 =	simm.s32 $0x0  }
0x83: {  	s7 =	smov.u32 @p1 s5  }
0x84: {  	[smem:s1+$0xFFFFFFFC] =	sst s7  }
0x85: {  	s22 =	sld [smem:s1+$0xFFFFFFFD];
	s4 =	sadd.s32 s7, s4  }
0x86: {  	[smem:s1+$0xFFFFFFFD] =	sst s4  }
0x87: {  	s23 =	sld [smem:s1+$0xFFFFFFFE]  }
0x88: {  	s4 =	sadd.s32 s4, s22  }
0x89: {  	[smem:s1+$0xFFFFFFFE] =	sst s4  }
0x8a: {  	s24 =	sld [smem:s1+$0xFFFFFFFF];
	s4 =	sadd.s32 s4, s23  }
0x8b: {  	[smem:s1+$0xFFFFFFFF] =	sst s4  }
0x8c: {  	s25 =	sld [smem:s1+$0x0]  }
0x8d: {  	s4 =	sadd.s32 s4, s24  }
0x8e: {  	[smem:s1] =	sst s4  }
0x8f: {  	s26 =	sld [smem:s1+$0x1];
	s4 =	sadd.s32 s4, s25  }
0x90: {  	[smem:s1+$0x1] =	sst s4  }
0x91: {  	s28 =	sld [smem:s1+$0x2]  }
0x92: {  	s4 =	sadd.s32 s4, s26  }
0x93: {  	[smem:s1+$0x2] =	sst s4  }
0x94: {  	s9 =	simm.s32 $0x20;
	s29 =	sld [smem:s1+$0x3];
	s4 =	sadd.s32 s4, s28  }
0x95: {  	v15 =	vld [tilespmem:s9+$0xFFFFFFE0];
	[smem:s1+$0x3] =	sst s4  }
0x96: {  	s7 =	sld [smem:$0x3];
	v14 =	vld [tilespmem:s9+$0x10]  }
0x97: {  	v5 =	vld [tilespmem:s9+$0x0]  }
0x98: {  	v10 =	vld [tilespmem:s9+$0xFFFFFFF0]  }
0x99: {  	p1 =	por $0x1, $0x1  }
.Ltmp4:
0x9a: {  	(xrf0) =	vadd.scan.msk.s32 $0xffff, v15;
	(pc) =	sbr.rel @!p1 .LBB2_8-.Ltmp4, $4  }
0x9b: {  	(xrf0) =	vadd.scan.msk.s32 $0xffff, v14  }
0x9c: {  	(xrf0) =	vadd.scan.msk.s32 $0xffff, v5  }
0x9d: {  	s10 =	simm.s32 $0x2;
	s5 =	simm.s32 $0x60;
	(xrf0) =	vadd.scan.msk.s32 $0xffff, v10  }
0x9e: {  	s18 =	sadd.s32 s4, s29;
	s4 =	simm.s32 $0x6;
	s9 =	sld [smem:$0x0]  }
0x9f: {  	_ = 	snop  }
0xa0: {  	v7 =	vld [tilespmem:s5+$0xFFFFFFE0];
	s1 =	sld [smem:$0x7];
	v2, _, _ =	vpop (xrf0)  }
0xa1: {  	vm0 =	vgt.s32 v15, $0x0;
	v3 =	vsub.s32 v2, v15  }
0xa2: {  	v11 =	vld [tilespmem:s5+$0x10];
	vm2 =	vgt.s32 v15, $0x1;
	s10 =	sld [smem:$0x2];
	v4, _, _ =	vpop (xrf0);
	v3 =	vadd.s32 s9, v3  }
0xa3: {  	vm1 =	vgt.s32 v14, $0x0;
	v4 =	vsub.s32 v4, v14;
	v12 =	vadd.s32 $0x1, v3  }
0xa4: {  	v2 =	vld [tilespmem:s5+$0x0];
	v9 =	vadd.s32 s7, v4  }
0xa5: {  	vm4 =	vgt.s32 v14, $0x1;
	v13 =	vor.u32 s0, v0;
	s28 =	simm.s32 $0x30;
	s26 =	sld [smem:$0x1];
	v6, _, _ =	vpop (xrf0);
	v4 =	vld [tilespmem:s5+$0xFFFFFFF0]  }
0xa6: {  	vm3 =	vgt.s32 v5, $0x0;
	v16 =	vor.u32 s28, v0;
	v6 =	vsub.s32 v6, v5;
	v8, _, _ =	vpop (xrf0)  }
0xa7: {  	p1 =	por $0x1, $0x1;
	v14 =	vadd.s32 $0x1, v9;
	(xrf0) =	vadd.scan.msk.s32 $0xffff, v7;
	v15 =	vsub.s32 v8, v10;
	[tilespmem:v3+s12+$0x0] =	vst.idx.msk vm0, v13  }
.Ltmp5:
0xa8: {  	v8 =	vadd.s32 s10, v6;
	(xrf0) =	vadd.scan.msk.s32 $0xffff, v11;
	[tilespmem:v12+s12+$0x0] =	vst.idx.msk vm2, v13;
	vm2 =	vgt.s32 v10, $0x0;
	(pc) =	sbr.rel @!p1 .LBB2_10-.Ltmp5, $4  }
0xa9: {  	v6 =	vadd.s32 s26, v15;
	(xrf0) =	vadd.scan.msk.s32 $0xffff, v2;
	[tilespmem:v9+s12+$0x0] =	vst.idx.msk vm1, v16;
	vm1 =	vgt.s32 v10, $0x1  }
0xaa: {  	s29 =	simm.s32 $0x10;
	s13 =	simm.s32 $0x20;
	vm0 =	vgt.s32 v5, $0x1;
	(xrf0) =	vadd.scan.msk.s32 $0xffff, v4;
	v9 =	vadd.s32 $0x1, v6  }
0xab: {  	s11 =	simm.s32 $0xA;
	p0 =	por $0x1, $0x1;
	s7 =	simm.s32 $0x4;
	v3 =	vadd.s32 $0x1, v8  }
0xac: {  	s5 =	simm.s32 $0x0;
	s10 =	simm.s32 $0xA0;
	v13 =	vor.u32 s29, v0;
	v12 =	vor.u32 s13, v0;
	s9 =	sld [smem:$0x4];
	[tilespmem:v14+s12+$0x0] =	vst.idx.msk vm4, v16  }
.LBB2_11:
0xad: {  	v5 =	vld [tilespmem:s10+$0xFFFFFFE0];
	s13 =	sld [smem:s11+$0x1];
	s7 =	sadd.s32 $0x4, s7;
	vm4 =	vgt.s32 v11, $0x1;
	v10, _, _ =	vpop (xrf0);
	[tilespmem:v8+s12+$0x0] =	vst.idx.msk vm3, v12;
	s5 =	sadd.s32 $0x40, s5  }
0xae: {  	vm6 =	vgt.s32 v7, $0x0;
	vm5 =	vgt.s32 v7, $0x1;
	v14 =	vld [tilespmem:s10+$0x10];
	p1 =	slt.u32 s7, $0x7C;
	v8 =	vsub.s32 v10, v7;
	s14 =	sld [smem:s4+$0x0];
	v7, _, _ =	vpop (xrf0);
	[tilespmem:v6+s12+$0x0] =	vst.idx.msk vm2, v13  }
0xaf: {  	vm7 =	vgt.s32 v11, $0x0;
	v10 =	vld [tilespmem:s10+$0x0];
	v15 =	vadd.s32 s9, v8;
	s9 =	sld [smem:s4+$0xFFFFFFFF];
	v8 =	vsub.s32 v7, v11;
	v7, _, _ =	vpop (xrf0);
	[tilespmem:v9+s12+$0x0] =	vst.idx.msk vm1, v13;
	s4 =	smov.u32 s11  }
0xb0: {  	v13 =	vld [tilespmem:s10+$0xFFFFFFF0];
	v16 =	vadd.s32 $0x1, v15;
	v9 =	vsub.s32 v7, v2;
	v17 =	vadd.s32 s1, v8;
	v6, _, _ =	vpop (xrf0);
	[tilespmem:v3+s12+$0x0] =	vst.idx.msk vm0, v12;
	s1 =	smov.u32 s13  }
0xb1: {  	v3 =	vsub.s32 v6, v4;
	v8 =	vadd.s32 s14, v9;
	v18 =	vadd.s32 $0x1, v17  }
0xb2: {  	vm3 =	vgt.s32 v2, $0x0;
	(xrf0) =	vadd.scan.msk.s32 $0xffff, v5;
	v6 =	vadd.s32 s9, v3;
	v3 =	vadd.s32 $0x1, v8;
	v7 =	vmovc v5  }
.Ltmp6:
0xb3: {  	vm2 =	vgt.s32 v4, $0x0;
	v5 =	vor.u32 s5, v0;
	s9 =	sadd.s32 $0x30, s5;
	(xrf0) =	vadd.scan.msk.s32 $0xffff, v14;
	v9 =	vadd.s32 $0x1, v6;
	v11 =	vmovc v14;
	(pc) =	sbr.rel @p1 .LBB2_11-.Ltmp6, $4  }
0xb4: {  	vm1 =	vgt.s32 v4, $0x1;
	v14 =	vor.u32 s9, v0;
	(xrf0) =	vadd.scan.msk.s32 $0xffff, v10;
	[tilespmem:v15+s12+$0x0] =	vst.idx.msk vm6, v5  }
0xb5: {  	vm0 =	vgt.s32 v2, $0x1;
	v2 =	vmovc v10;
	(xrf0) =	vadd.scan.msk.s32 $0xffff, v13;
	[tilespmem:v17+s12+$0x0] =	vst.idx.msk vm7, v14;
	v4 =	vmov v13  }
0xb6: {  	s13 =	sadd.s32 $0x10, s5;
	s14 =	sadd.s32 $0x20, s5;
	[tilespmem:v16+s12+$0x0] =	vst.idx.msk vm5, v5  }
0xb7: {  	s11 =	sadd.s32 $0x4, s11;
	s10 =	sadd.s32 $0x40, s10;
	v12 =	vor.u32 s14, v0;
	v13 =	vor.u32 s13, v0;
	s9 =	sld [smem:s4+$0xFFFFFFFE];
	[tilespmem:v18+s12+$0x0] =	vst.idx.msk vm4, v14  }
0xb8: {  	v14 =	vmovc v11;
	v15 =	vmov v7;
	s10 =	smov.u32 s4;
	v5 =	vmov v2;
	s7 =	smov.u32 s1;
	v10 =	vmov v4  }
.LBB2_13:
0xb9: {  	_ =	sdelay $0x2  }
0xba: {  	v2, _, _ =	vpop (xrf0)  }
0xbb: {  	vm5 =	vgt.s32 v15, $0x0;
	s1 =	sld [smem:s10+$0x0];
	v2 =	vsub.s32 v2, v15;
	v4, _, _ =	vpop (xrf0)  }
0xbc: {  	vm6 =	vgt.s32 v14, $0x0;
	[tilespmem:v8+s12+$0x0] =	vst.idx.msk @p0 vm3, v12;
	s4 =	sadd.s32 @p0 $0x40, s5;
	s21 =	sld [smem:s10+$0xFFFFFFFF];
	s24 =	sand.u32 $0xF, s18;
	v2 =	vadd.s32 s9, v2;
	v4 =	vsub.s32 v4, v14  }
0xbd: {  	vm4 =	vgt.s32 v15, $0x1;
	vm11 =	vgt.s32 v14, $0x1;
	[tilespmem:v6+s12+$0x0] =	vst.idx.msk @p0 vm2, v13;
	s25 =	sshra.s32 s18, $0x1F;
	p6 =	slt.s32 s18, $0x1;
	s0 =	smov.u32 @p0 s4;
	v4 =	vadd.s32 s7, v4  }
0xbe: {  	vm12 =	vgt.s32 v5, $0x0;
	vm13 =	vgt.s32 v10, $0x0;
	[tilespmem:v9+s12+$0x0] =	vst.idx.msk @p0 vm1, v13;
	p1 =	sne.s32 s24, $0x0;
	s26 =	sshrl.u32 s25, $0x1C;
	s4 =	simm.s32 $0x1;
	v7, _, _ =	vpop (xrf0);
	v57 =	vadd.s32 $0x1, v2  }
0xbf: {  	vm15 =	vgt.s32 v5, $0x1;
	[tilespmem:v3+s12+$0x0] =	vst.idx.msk @p0 vm0, v12;
	s22 =	sadd.s32 $0x30, s0;
	s23 =	sadd.s32 $0x10, s0;
	p0 =	por !p6, !p1;
	v7 =	vsub.s32 v7, v5;
	v58, _, _ =	vpop (xrf0);
	v59 =	vadd.s32 $0x1, v4  }
0xc0: {  	v60 =	vor.u32 s0, v0;
	s0 =	sadd.s32 $0x20, s0;
	s28 =	sadd.s32 s26, s18;
	p0 =	por !p0, !p0;
	v8 =	vsub.s32 v58, v10;
	v3 =	vadd.s32 s1, v7  }
0xc1: {  	v63 =	vor.u32 s0, v0;
	s0 =	sshra.s32 s28, $0x4;
	s4 =	simm.s32 @!p0 $0x0;
	v8 =	vadd.s32 s21, v8;
	[tilespmem:v2+s12+$0x0] =	vst.idx.msk vm5, v60;
	v2 =	vor.u32 s22, v0  }
0xc2: {  	vm14 =	vgt.s32 v10, $0x1;
	v62 =	vadd.s32 $0x1, v3;
	s16 =	ssub.s32 s0, s4;
	[tilespmem:v4+s12+$0x0] =	vst.idx.msk vm6, v2  }
0xc3: {  	v61 =	vadd.s32 $0x1, v8;
	s0 =	sshrl.u32 s16, $0x1E;
	[tilespmem:v57+s12+$0x0] =	vst.idx.msk vm4, v60  }
0xc4: {  	s0 =	sadd.s32 s0, s16;
	[tilespmem:v59+s12+$0x0] =	vst.idx.msk vm11, v2  }
0xc5: {  	s17 =	sand.u32 $0xFFFFFFFC, s0;
	v2 =	vor.u32 s23, v0;
	[tilespmem:v3+s12+$0x0] =	vst.idx.msk vm12, v63  }
0xc6: {  	p4 =	slt.s32 s17, $0x1;
	[tilespmem:v8+s12+$0x0] =	vst.idx.msk vm13, v2  }
.Ltmp7:
0xc7: {  	[tilespmem:v62+s12+$0x0] =	vst.idx.msk vm15, v63;
	(pc) =	sbr.rel @p4 .LBB2_16-.Ltmp7, $4  }
0xc8: {  	s29 =	simm.s32 $0x1;
	[tilespmem:v61+s12+$0x0] =	vst.idx.msk vm14, v2  }
0xc9: {  	_ =	swait.ge [sflag:s29], $0x4000  }
0xca: {  	[sflag:s29] =	ssyncset.done $0x0  }
0xcb: {  	[sflag:s29] =	ssyncadd.s32 $0xFFFFC000  }
0xcc: {  	s0 =	simm.s32 $0x0  }
0xcd: {  	s1 =	simm.s32 $0x800;
	s9 =	sand.u32 $0x40, s0;
	s4 =	sand.u32 $0xFFFFFF80, s0  }
0xce: {  	v2 =	vld [tilespmem:s1+$0x0];
	s4 =	sadd.s32 $0x800, s4;
	s1 =	sor.u32 $0x30, s9  }
0xcf: {  	s20 =	sor.u32 $0x10, s9;
	s5 =	sor.u32 s1, s4  }
0xd0: {  	s19 =	sor.u32 $0x20, s9;
	s7 =	sor.u32 s20, s4;
	v4 =	vld [tilespmem:s5+$0x0]  }
0xd1: {  	s4 =	sor.u32 s19, s4;
	v8 =	vld [tilespmem:s7+$0x0]  }
0xd2: {  	p2 =	sgt.s32 s17, $0x4;
	v7 =	vld [tilespmem:s4+$0x0]  }
.Ltmp8:
0xd3: {  	v3 =	vshll.u32 v2, $0x3;
	(pc) =	sbr.rel @!p2 .LBB2_15-.Ltmp8, $4  }
0xd4: {  	v2 =	vand.u32 $0x7F, v2;
	v3 =	vand.u32 $0xFFFFFC00, v3  }
0xd5: {  	v3 =	vor.u32 v2, v3;
	v2 =	vshll.u32 v4, $0x3  }
0xd6: {  	v5 =	vshll.u32 v8, $0x3;
	v4 =	vand.u32 $0x7F, v4;
	v2 =	vand.u32 $0xFFFFFC00, v2  }
0xd7: {  	p0 =	por $0x0, $0x0;
	p1 =	por $0x0, $0x0;
	s4 =	simm.s32 $0x840;
	v19 =	vshll.u32 v7, $0x3;
	v17 =	vand.u32 $0xFFFFFC00, v5;
	v5 =	vor.u32 v4, v2  }
0xd8: {  	_ =	sdelay $0x1  }
0xd9: {  	v2 =	vand.u32 $0x7F, v8;
	s29 =	sand.u32 $0xFFFFFC00, s0;
	s5 =	simm.s32 $0x40  }
0xda: {  	v4 =	vand.u32 $0xFFFFFC00, v19;
	v6 =	vand.u32 $0x7F, v7;
	v10 =	vld [tilespmem:s4+$0x0];
	v2 =	vor.u32 v2, v17;
	s4 =	sadd.s32 $0x5880, s29;
	s15 =	sand.u32 $0x40, s5;
	s5 =	sand.u32 $0xFFFFFF80, s5  }
0xdb: {  	v4 =	vor.u32 v6, v4;
	v6 =	vld.idx.msk [tilespmem:v5+s8+$0x0], $0xffff;
	s14 =	sor.u32 s1, s4;
	s5 =	sadd.s32 $0x800, s5;
	s1 =	sor.u32 $0x30, s15  }
0xdc: {  	v7 =	vor.u32 $0x80, v5;
	v14 =	vld.idx.msk [tilespmem:v3+s8+$0x0], $0xffff;
	s22 =	sor.u32 $0x10, s15;
	s7 =	sor.u32 s1, s5  }
0xdd: {  	s10 =	sor.u32 s22, s5;
	v18 =	vld [tilespmem:s7+$0x0]  }
0xde: {  	v8 =	vld [tilespmem:s10+$0x0]  }
0xdf: {  	v19 =	vor.u32 $0x80, v3;
	v12 =	vld.idx.msk [tilespmem:v2+s8+$0x0], $0xffff  }
0xe0: {  	s23 =	sor.u32 $0x20, s15;
	v15 =	vld.idx.msk [tilespmem:v4+s8+$0x0], $0xffff;
	[tilespmem:s14+$0x0] =	vst v6;
	v6 =	vor.u32 $0x80, v2  }
0xe1: {  	v17 =	vor.u32 $0x80, v4;
	s5 =	sor.u32 s23, s5;
	v16 =	vld.idx.msk [tilespmem:v7+s8+$0x0], $0xffff  }
0xe2: {  	v20 =	vor.u32 $0x100, v5;
	p2 =	sgt.s32 s17, $0x8;
	s21 =	sor.u32 s9, s4;
	v7 =	vld [tilespmem:s5+$0x0]  }
.Ltmp9:
0xe3: {  	v11 =	vor.u32 $0x100, v2;
	v9 =	vor.u32 $0x180, v2;
	s10 =	sor.u32 s20, s4;
	[tilespmem:s21+$0x0] =	vst v14;
	v2 =	vshll.u32 v10, $0x3;
	(pc) =	sbr.rel @!p2 .LBB2_32-.Ltmp9, $4  }
0xe4: {  	v21 =	vand.u32 $0x7F, v10;
	v10 =	vor.u32 $0x180, v4;
	v14 =	vld.idx.msk [tilespmem:v19+s8+$0x0], $0xffff;
	s5 =	sor.u32 s19, s4;
	v2 =	vand.u32 $0xFFFFFC00, v2;
	[tilespmem:s10+$0x0] =	vst v12  }
0xe5: {  	v12 =	vor.u32 $0x100, v4;
	[tilespmem:s5+$0x0] =	vst v15;
	v4 =	vor.u32 v21, v2;
	v2 =	vshll.u32 v18, $0x3;
	v13 =	vld.idx.msk [tilespmem:v6+s8+$0x0], $0xffff  }
0xe6: {  	v18 =	vand.u32 $0x7F, v18;
	v15 =	vld.idx.msk [tilespmem:v17+s8+$0x0], $0xffff;
	[tilespmem:s14+$0x80] =	vst v16;
	v6 =	vshll.u32 v8, $0x3;
	v2 =	vand.u32 $0xFFFFFC00, v2  }
0xe7: {  	p0 =	por $0x1, $0x1;
	s4 =	simm.s32 $0x880;
	v19 =	vshll.u32 v7, $0x3;
	v16 =	vld.idx.msk [tilespmem:v20+s8+$0x0], $0xffff;
	v17 =	vand.u32 $0xFFFFFC00, v6;
	v6 =	vor.u32 v18, v2  }
0xe8: {  	_ =	sdelay $0x2  }
0xe9: {  	v2 =	vld [tilespmem:s4+$0x0];
	v8 =	vand.u32 $0x7F, v8;
	v5 =	vor.u32 $0x180, v5  }
0xea: {  	v18 =	vand.u32 $0xFFFFFC00, v19;
	v19 =	vld.idx.msk [tilespmem:v4+s8+$0x0], $0xffff;
	v7 =	vand.u32 $0x7F, v7;
	v17 =	vor.u32 v8, v17;
	[tilespmem:s10+$0x80] =	vst v13  }
0xeb: {  	v18 =	vor.u32 v7, v18;
	v7 =	vld.idx.msk [tilespmem:v11+s8+$0x0], $0xffff;
	[tilespmem:s5+$0x80] =	vst v15  }
0xec: {  	v8 =	vor.u32 $0x100, v3;
	v11 =	vld.idx.msk [tilespmem:v12+s8+$0x0], $0xffff  }
0xed: {  	v12 =	vld.idx.msk [tilespmem:v6+s8+$0x0], $0xffff;
	[tilespmem:s14+$0x100] =	vst v16  }
0xee: {  	s11 =	simm.s32 $0x80;
	v5 =	vld.idx.msk [tilespmem:v5+s8+$0x0], $0xffff  }
0xef: {  	s4 =	simm.s32 $0x200;
	s9 =	sand.u32 $0x40, s11;
	s28 =	sand.u32 $0xFFFFFF80, s11;
	v15 =	vor.u32 $0x80, v6;
	v13 =	vld.idx.msk [tilespmem:v17+s8+$0x0], $0xffff  }
0xf0: {  	[tilespmem:s21+$0x80] =	vst v14;
	s7 =	sand.u32 $0xFFFFFC00, s4;
	s25 =	sadd.s32 $0x800, s28;
	s20 =	sor.u32 $0x10, s9;
	v14 =	vld.idx.msk [tilespmem:v18+s8+$0x0], $0xffff  }
0xf1: {  	s24 =	sadd.s32 $0x5880, s7;
	s29 =	sor.u32 s20, s25;
	v16 =	vld.idx.msk [tilespmem:v8+s8+$0x0], $0xffff  }
0xf2: {  	s13 =	sor.u32 s1, s24;
	v8 =	vld [tilespmem:s29+$0x0];
	[tilespmem:s5+$0x100] =	vst v11  }
0xf3: {  	v21 =	vor.u32 $0x80, v17;
	s1 =	sor.u32 $0x30, s9;
	[tilespmem:s13+$0x0] =	vst v12;
	v22 =	vld.idx.msk [tilespmem:v10+s8+$0x0], $0xffff  }
0xf4: {  	v24 =	vor.u32 $0x80, v4;
	s7 =	sor.u32 s1, s25;
	[tilespmem:s10+$0x100] =	vst v7;
	v23 =	vld.idx.msk [tilespmem:v15+s8+$0x0], $0xffff  }
0xf5: {  	s19 =	sor.u32 $0x20, s9;
	v10 =	vor.u32 $0x80, v18;
	[tilespmem:s14+$0x180] =	vst v5;
	v5 =	vld [tilespmem:s7+$0x0];
	s7 =	sor.u32 s15, s24  }
0xf6: {  	s25 =	sor.u32 s19, s25;
	v20 =	vld.idx.msk [tilespmem:v9+s8+$0x0], $0xffff;
	s15 =	sor.u32 s22, s24;
	[tilespmem:s7+$0x0] =	vst v19;
	v19 =	vor.u32 $0x100, v6  }
0xf7: {  	p2 =	sgt.s32 s17, $0xC;
	v3 =	vor.u32 $0x180, v3;
	v7 =	vld [tilespmem:s25+$0x0];
	s14 =	sor.u32 s23, s24;
	v15 =	vshll.u32 v2, $0x3;
	[tilespmem:s15+$0x0] =	vst v13  }
.Ltmp10:
0xf8: {  	v2 =	vand.u32 $0x7F, v2;
	[tilespmem:s14+$0x0] =	vst v14;
	v14 =	vand.u32 $0xFFFFFC00, v15;
	v13 =	vld.idx.msk [tilespmem:v21+s8+$0x0], $0xffff;
	(pc) =	sbr.rel @!p2 .LBB2_34-.Ltmp10, $4  }
0xf9: {  	v11 =	vor.u32 $0x100, v17;
	v9 =	vor.u32 $0x180, v17;
	[tilespmem:s21+$0x100] =	vst v16;
	v2 =	vor.u32 v2, v14;
	v14 =	vld.idx.msk [tilespmem:v24+s8+$0x0], $0xffff  }
0xfa: {  	v12 =	vor.u32 $0x100, v18;
	v17 =	vshll.u32 v8, $0x3;
	v15 =	vld.idx.msk [tilespmem:v10+s8+$0x0], $0xffff;
	v16 =	vshll.u32 v5, $0x3;
	[tilespmem:s13+$0x80] =	vst v23  }
0xfb: {  	[tilespmem:s10+$0x180] =	vst v20;
	v10 =	vor.u32 $0x180, v18;
	v5 =	vand.u32 $0x7F, v5;
	v18 =	vand.u32 $0xFFFFFC00, v16;
	v16 =	vld.idx.msk [tilespmem:v19+s8+$0x0], $0xffff  }
0xfc: {  	p1 =	por $0x1, $0x1;
	s22 =	simm.s32 $0x8C0;
	v17 =	vand.u32 $0xFFFFFC00, v17;
	s10 =	simm.s32 $0xC;
	[tilespmem:s5+$0x180] =	vst v22;
	v19 =	vshll.u32 v7, $0x3;
	v5 =	vor.u32 v5, v18;
	v18 =	vld.idx.msk [tilespmem:v3+s8+$0x0], $0xffff  }
.LBB2_35:
0xfd: {  	v3 =	vld [tilespmem:s22+$0x0];
	v8 =	vand.u32 $0x7F, v8;
	v19 =	vand.u32 $0xFFFFFC00, v19;
	v20 =	vor.u32 $0x180, v6;
	v6 =	vmovc v5  }
0xfe: {  	v7 =	vand.u32 $0x7F, v7;
	v21 =	vld.idx.msk [tilespmem:v2+s8+$0x0], $0xffff;
	v8 =	vor.u32 v8, v17;
	v17 =	vor.u32 $0x100, v4;
	[tilespmem:s15+$0x80] =	vst v13  }
0xff: {  	v7 =	vor.u32 v7, v19;
	v13 =	vor.u32 $0x80, v8;
	v19 =	vld.idx.msk [tilespmem:v11+s8+$0x0], $0xffff;
	v11 =	vor.u32 $0x100, v8;
	[tilespmem:s14+$0x80] =	vst v15  }
0x100: {  	v15 =	vor.u32 $0x180, v8;
	v22 =	vor.u32 $0x80, v7;
	[tilespmem:s7+$0x80] =	vst v14;
	v14 =	vld.idx.msk [tilespmem:v12+s8+$0x0], $0xffff;
	v12 =	vor.u32 $0x100, v7  }
0x101: {  	v23 =	vor.u32 $0x180, v7;
	v5 =	vld.idx.msk [tilespmem:v5+s8+$0x0], $0xffff;
	[tilespmem:s13+$0x100] =	vst v16  }
0x102: {  	v16 =	vld.idx.msk [tilespmem:v20+s8+$0x0], $0xffff;
	[tilespmem:s21+$0x180] =	vst v18;
	s21 =	smov.u32 s7  }
0x103: {  	s4 =	sadd.s32 $0x200, s4;
	v18 =	vld.idx.msk [tilespmem:v8+s8+$0x0], $0xffff;
	v8 =	vor.u32 $0x80, v6  }
0x104: {  	s11 =	sadd.s32 $0x40, s11;
	s5 =	sand.u32 $0xFFFFFC00, s4;
	v20 =	vld.idx.msk [tilespmem:v7+s8+$0x0], $0xffff  }
0x105: {  	s23 =	sand.u32 $0x40, s11;
	s5 =	sadd.s32 $0x5880, s5;
	v17 =	vld.idx.msk [tilespmem:v17+s8+$0x0], $0xffff;
	[tilespmem:s15+$0x100] =	vst v19  }
0x106: {  	s10 =	sadd.s32 $0x4, s10;
	s24 =	sor.u32 s1, s5;
	s7 =	sand.u32 $0xFFFFFF80, s11;
	v19 =	vld.idx.msk [tilespmem:v9+s8+$0x0], $0xffff;
	[tilespmem:s14+$0x100] =	vst v14;
	v9 =	vmov v15  }
0x107: {  	p2 =	slt.s32 s10, s17;
	s1 =	sor.u32 $0x30, s23;
	s7 =	sadd.s32 $0x800, s7;
	[tilespmem:s24+$0x0] =	vst v5;
	v24 =	vld.idx.msk [tilespmem:v10+s8+$0x0], $0xffff;
	v10 =	vmov v23  }
0x108: {  	s25 =	sor.u32 $0x10, s23;
	s26 =	sor.u32 $0x20, s23;
	s28 =	sor.u32 s1, s7;
	v5 =	vld.idx.msk [tilespmem:v8+s8+$0x0], $0xffff;
	[tilespmem:s13+$0x180] =	vst v16  }
0x109: {  	s29 =	sor.u32 s26, s7;
	v14 =	vor.u32 $0x80, v2;
	s13 =	sor.u32 s25, s7;
	s7 =	sor.u32 s9, s5;
	v16 =	vld [tilespmem:s28+$0x0]  }
0x10a: {  	s9 =	smov.u32 s23;
	s28 =	sor.u32 s20, s5;
	s5 =	sor.u32 s19, s5;
	v8 =	vld [tilespmem:s13+$0x0];
	[tilespmem:s7+$0x0] =	vst v21;
	v21 =	vor.u32 $0x100, v6  }
0x10b: {  	v15 =	vshll.u32 v3, $0x3;
	s20 =	smov.u32 s25;
	s19 =	smov.u32 s26;
	s13 =	smov.u32 s24;
	v7 =	vld [tilespmem:s29+$0x0];
	[tilespmem:s28+$0x0] =	vst v18;
	v18 =	vor.u32 $0x180, v4;
	v4 =	vmov v2  }
.Ltmp11:
0x10c: {  	v2 =	vand.u32 $0x7F, v3;
	v3 =	vand.u32 $0xFFFFFC00, v15;
	v13 =	vld.idx.msk [tilespmem:v13+s8+$0x0], $0xffff;
	[tilespmem:s5+$0x0] =	vst v20;
	(pc) =	sbr.rel @p2 .LBB2_35-.Ltmp11, $4  }
0x10d: {  	v2 =	vor.u32 v2, v3;
	v15 =	vld.idx.msk [tilespmem:v22+s8+$0x0], $0xffff;
	[tilespmem:s21+$0x100] =	vst v17  }
0x10e: {  	v3 =	vshll.u32 v16, $0x3;
	v14 =	vld.idx.msk [tilespmem:v14+s8+$0x0], $0xffff;
	[tilespmem:s13+$0x80] =	vst v5  }
0x10f: {  	v20 =	vand.u32 $0x7F, v16;
	v5 =	vshll.u32 v8, $0x3;
	v3 =	vand.u32 $0xFFFFFC00, v3;
	v16 =	vld.idx.msk [tilespmem:v21+s8+$0x0], $0xffff;
	[tilespmem:s15+$0x180] =	vst v19;
	s15 =	smov.u32 s28  }
0x110: {  	s22 =	sadd.s32 $0x40, s22;
	v17 =	vand.u32 $0xFFFFFC00, v5;
	v19 =	vshll.u32 v7, $0x3;
	v5 =	vor.u32 v20, v3;
	v18 =	vld.idx.msk [tilespmem:v18+s8+$0x0], $0xffff;
	[tilespmem:s14+$0x180] =	vst v24;
	s14 =	smov.u32 s5  }
0x111: {  	v20 =	vmov v6;
	v3 =	vmov v4;
	s10 =	smov.u32 s15;
	s5 =	smov.u32 s14;
	s14 =	smov.u32 s13  }
.LBB2_37:
0x112: {  	_ =	sdelay $0x1  }
0x113: {  	v4 =	vand.u32 $0x7F, v8  }
0x114: {  	v6 =	vand.u32 $0xFFFFFC00, v19;
	v7 =	vand.u32 $0x7F, v7;
	v4 =	vor.u32 v4, v17  }
0x115: {  	v47 =	vld.idx.msk [tilespmem:v2+s8+$0x0], $0xffff;
	v6 =	vor.u32 v7, v6  }
0x116: {  	[tilespmem:s10+$0x80] =	vst @p0 v13;
	v8 =	vor.u32 @p0 $0x180, v20;
	v48 =	vld.idx.msk [tilespmem:v5+s8+$0x0], $0xffff;
	s4 =	sadd.s32 @p0 $0x200, s4  }
0x117: {  	v13 =	vor.u32 @p0 $0x100, v3;
	[tilespmem:s5+$0x80] =	vst @p0 v15;
	v11 =	vld.idx.msk @p0 [tilespmem:v11+s8+$0x0], $0xffff;
	s0 =	smov.u32 @p0 s4  }
0x118: {  	v50 =	vor.u32 $0x80, v5;
	[tilespmem:s7+$0x80] =	vst @p0 v14;
	v12 =	vld.idx.msk @p0 [tilespmem:v12+s8+$0x0], $0xffff;
	s0 =	sand.u32 $0xFFFFFC00, s0  }
0x119: {  	v54 =	vor.u32 $0x80, v2;
	[tilespmem:s14+$0x100] =	vst @p0 v16;
	s0 =	sadd.s32 $0x5880, s0;
	v49 =	vld.idx.msk [tilespmem:v4+s8+$0x0], $0xffff  }
0x11a: {  	v51 =	vor.u32 $0x80, v4;
	[tilespmem:s21+$0x180] =	vst @p1 v18;
	s1 =	sor.u32 s1, s0;
	v52 =	vld.idx.msk [tilespmem:v6+s8+$0x0], $0xffff  }
0x11b: {  	v53 =	vor.u32 $0x80, v6;
	s29 =	sor.u32 s20, s0;
	s11 =	sor.u32 s19, s0;
	s0 =	sor.u32 s9, s0;
	v8 =	vld.idx.msk @p0 [tilespmem:v8+s8+$0x0], $0xffff;
	[tilespmem:s1+$0x0] =	vst v48  }
0x11c: {  	v13 =	vld.idx.msk @p0 [tilespmem:v13+s8+$0x0], $0xffff;
	[tilespmem:s0+$0x0] =	vst v47  }
0x11d: {  	[tilespmem:s10+$0x100] =	vst @p0 v11;
	v15 =	vld.idx.msk [tilespmem:v50+s8+$0x0], $0xffff  }
0x11e: {  	v55 =	vor.u32 $0x100, v5;
	v11 =	vld.idx.msk [tilespmem:v54+s8+$0x0], $0xffff;
	[tilespmem:s29+$0x0] =	vst v49  }
0x11f: {  	v60 =	vor.u32 $0x100, v2;
	[tilespmem:s11+$0x0] =	vst v52;
	v56 =	vld.idx.msk [tilespmem:v51+s8+$0x0], $0xffff  }
0x120: {  	v57 =	vor.u32 $0x100, v4;
	[tilespmem:s5+$0x100] =	vst @p0 v12;
	v58 =	vld.idx.msk [tilespmem:v53+s8+$0x0], $0xffff  }
0x121: {  	v59 =	vor.u32 $0x100, v6;
	v9 =	vld.idx.msk @p0 [tilespmem:v9+s8+$0x0], $0xffff;
	[tilespmem:s14+$0x180] =	vst @p0 v8  }
0x122: {  	v3 =	vor.u32 @p0 $0x180, v3;
	v10 =	vld.idx.msk @p0 [tilespmem:v10+s8+$0x0], $0xffff;
	[tilespmem:s1+$0x80] =	vst v15  }
0x123: {  	[tilespmem:s0+$0x80] =	vst v11;
	v61 =	vld.idx.msk [tilespmem:v55+s8+$0x0], $0xffff  }
0x124: {  	v62 =	vor.u32 $0x180, v5;
	v8 =	vld.idx.msk [tilespmem:v60+s8+$0x0], $0xffff;
	[tilespmem:s29+$0x80] =	vst v56  }
0x125: {  	v2 =	vor.u32 $0x180, v2;
	[tilespmem:s11+$0x80] =	vst v58;
	v63 =	vld.idx.msk [tilespmem:v57+s8+$0x0], $0xffff  }
0x126: {  	v4 =	vor.u32 $0x180, v4;
	[tilespmem:s7+$0x100] =	vst @p0 v13;
	v7 =	vld.idx.msk [tilespmem:v59+s8+$0x0], $0xffff  }
0x127: {  	v6 =	vor.u32 $0x180, v6;
	v3 =	vld.idx.msk @p0 [tilespmem:v3+s8+$0x0], $0xffff;
	[tilespmem:s10+$0x180] =	vst @p0 v9  }
0x128: {  	[tilespmem:s1+$0x100] =	vst v61  }
0x129: {  	[tilespmem:s0+$0x100] =	vst v8;
	v5 =	vld.idx.msk [tilespmem:v62+s8+$0x0], $0xffff  }
0x12a: {  	v2 =	vld.idx.msk [tilespmem:v2+s8+$0x0], $0xffff;
	[tilespmem:s29+$0x100] =	vst v63  }
0x12b: {  	[tilespmem:s11+$0x100] =	vst v7;
	v4 =	vld.idx.msk [tilespmem:v4+s8+$0x0], $0xffff  }
0x12c: {  	[tilespmem:s5+$0x180] =	vst @p0 v10;
	s5 =	smov.u32 @p0 s7;
	v3 =	vpsel p0, v3, v0;
	v6 =	vld.idx.msk [tilespmem:v6+s8+$0x0], $0xffff  }
0x12d: {  	[tilespmem:s5+$0x180] =	vst @p0 v3  }
0x12e: {  	[tilespmem:s1+$0x180] =	vst v5  }
0x12f: {  	[tilespmem:s0+$0x180] =	vst v2  }
0x130: {  	[tilespmem:s29+$0x180] =	vst v4  }
0x131: {  	[tilespmem:s11+$0x180] =	vst v6  }
.LBB2_16:
0x132: {  	s0 =	ssub.s32 s16, s17  }
0x133: {  	p5 =	slt.s32 s0, $0x1  }
.Ltmp12:
0x134: {  	_ = 	snop;
	(pc) =	sbr.rel @p5 .LBB2_19-.Ltmp12, $3  }
0x135: {  	_ =	sdelay $0x1  }
0x136: {  	s29 =	sshll.u32 s17, $0x6  }
0x137: {  	s20 =	sshll.u32 s17, $0x7;
	s21 =	sshll.u32 s17, $0x4;
	s10 =	sshra.s32 s29, $0x2  }
0x138: {  	s0 =	sshll.u32 s17, $0x7  }
0x139: {  	s1 =	sadd.s32 $0x800, s10;
	s4 =	sshll.u32 s17, $0x4;
	s5 =	smov.u32 s17  }
.LBB2_18:
0x13a: {  	v2 =	vld [tilespmem:s1+$0x0];
	_ =	sdelay $0x4  }
0x13b: {  	v3 =	vshll.u32 v2, $0x3  }
0x13c: {  	v2 =	vand.u32 $0x7F, v2;
	v3 =	vand.u32 $0xFFFFFC00, v3  }
0x13d: {  	v2 =	vor.u32 v2, v3;
	_ =	sdelay $0x4  }
0x13e: {  	v3 =	vld.idx.msk [tilespmem:v2+s8+$0x0], $0xffff  }
0x13f: {  	v4 =	vor.u32 $0x80, v2;
	_ =	sdelay $0x1  }
0x140: {  	s7 =	sand.u32 $0x70, s4;
	s9 =	sand.u32 $0xFFFFFC00, s0  }
0x141: {  	s7 =	sor.u32 s7, s9  }
0x142: {  	[tilespmem:s7+$0x5880] =	vst v3  }
0x143: {  	v3 =	vld.idx.msk [tilespmem:v4+s8+$0x0], $0xffff  }
0x144: {  	v63 =	vor.u32 $0x100, v2;
	_ =	sdelay $0x3  }
0x145: {  	[tilespmem:s7+$0x5900] =	vst v3  }
0x146: {  	v3 =	vld.idx.msk [tilespmem:v63+s8+$0x0], $0xffff  }
0x147: {  	v2 =	vor.u32 $0x180, v2;
	_ =	sdelay $0x3  }
0x148: {  	s5 =	sadd.s32 $0x1, s5;
	[tilespmem:s7+$0x5980] =	vst v3  }
0x149: {  	p0 =	slt.s32 s5, s16;
	v2 =	vld.idx.msk [tilespmem:v2+s8+$0x0], $0xffff  }
.Ltmp13:
0x14a: {  	_ = 	snop;
	(pc) =	sbr.rel @p0 .LBB2_18-.Ltmp13, $2  }
0x14b: {  	_ =	sdelay $0x2  }
0x14c: {  	s0 =	sadd.s32 $0x80, s0;
	s1 =	sadd.s32 $0x10, s1;
	s4 =	sadd.s32 $0x10, s4;
	[tilespmem:s7+$0x5A00] =	vst v2  }
.LBB2_19:
0x14d: {  	s1 =	sshll.u32 s16, $0x4  }
0x14e: {  	s0 =	ssub.s32 s18, s1  }
0x14f: {  	p0 =	slt.s32 s0, $0x1  }
0x150: {  	v3 =	vld @!p0 [tilespmem:s1+$0x800];
	_ =	sdelay $0x2  }
0x151: {  	v2 =	vmov @!p0 s0;
	v4 =	vlaneseq.u32 @!p0  }
0x152: {  	vm0 =	vgt.s32 @!p0 v2, v4  }
0x153: {  	v3 =	vnsel @!p0 vm0, $0x0, v3  }
0x154: {  	v4 =	vshll.u32 @!p0 v3, $0x3  }
0x155: {  	v3 =	vand.u32 @!p0 $0x7F, v3;
	v4 =	vand.u32 @!p0 $0xFFFFFC00, v4  }
0x156: {  	v3 =	vor.u32 @!p0 v3, v4;
	_ =	sdelay $0x3  }
0x157: {  	s0 =	simm.s32 @!p0 $0x1880  }
0x158: {  	v4 =	vld.idx.msk @!p0 [tilespmem:v3+s0+$0x0], $0xffff;
	_ =	sdelay $0x1  }
0x159: {  	v5 =	vor.u32 @!p0 $0x80, v3  }
0x15a: {  	s29 =	sshll.u32 @!p0 s16, $0x7  }
0x15b: {  	[dreg:$0x10] =	wrdreg s1;
	s4 =	sand.u32 @!p0 $0x70, s1;
	s1 =	sand.u32 @!p0 $0xFFFFFC00, s29  }
0x15c: {  	s7 =	sor.u32 @!p0 s4, s1;
	v4 =	vnsel @!p0 vm0, $0x0, v4  }
0x15d: {  	[tilespmem:s7+$0x5880] =	vst @!p0 v4  }
0x15e: {  	v4 =	vld.idx.msk @!p0 [tilespmem:v5+s0+$0x0], $0xffff;
	_ =	sdelay $0x1  }
0x15f: {  	v5 =	vor.u32 @!p0 $0x100, v3;
	_ =	sdelay $0x2  }
0x160: {  	v4 =	vnsel @!p0 vm0, $0x0, v4  }
0x161: {  	[tilespmem:s7+$0x5900] =	vst @!p0 v4  }
0x162: {  	s24 =	sadd.s32 $0xF, s18;
	v4 =	vld.idx.msk @!p0 [tilespmem:v5+s0+$0x0], $0xffff  }
0x163: {  	s25 =	sand.u32 $0xF, s24  }
0x164: {  	s5 =	sshra.s32 s24, $0x1F;
	p1 =	slt.s32 s24, $0x1;
	p2 =	sne.s32 s25, $0x0;
	v3 =	vor.u32 @!p0 $0x180, v3  }
0x165: {  	s26 =	sshrl.u32 s5, $0x1C;
	p1 =	por !p1, !p2;
	[dreg:$0xd] =	wrdreg s4  }
0x166: {  	p1 =	por !p1, !p1;
	s1 =	sadd.s32 s26, s24;
	s4 =	simm.s32 $0x1  }
0x167: {  	s1 =	sshra.s32 s1, $0x4;
	s4 =	simm.s32 @!p1 $0x0;
	v4 =	vnsel @!p0 vm0, $0x0, v4  }
0x168: {  	s26 =	ssub.s32 s1, s4;
	[tilespmem:s7+$0x5980] =	vst @!p0 v4  }
0x169: {  	v3 =	vld.idx.msk @!p0 [tilespmem:v3+s0+$0x0], $0xffff;
	s0 =	ssub.s32 $0x100, s26  }
0x16a: {  	s28 =	sshrl.u32 s0, $0x1E  }
0x16b: {  	s1 =	sadd.s32 s28, s0  }
0x16c: {  	s1 =	sand.u32 $0xFFFFFFFC, s1  }
0x16d: {  	p3 =	slt.s32 s1, $0x1  }
.Ltmp14:
0x16e: {  	_ = 	snop;
	(pc) =	sbr.rel @p3 .LBB2_23-.Ltmp14, $4  }
0x16f: {  	_ = 	snop  }
0x170: {  	[dreg:$0xe] =	wrdreg s10  }
0x171: {  	[dreg:$0xf] =	wrdreg s7;
	v3 =	vnsel @!p0 vm0, $0x0, v3  }
0x172: {  	s19 =	sshll.u32 s26, $0x7;
	s25 =	sshll.u32 s26, $0x4;
	s18 =	sadd.s32 s26, s1;
	[tilespmem:s7+$0x5A00] =	vst @!p0 v3  }
0x173: {  	s7 =	sshll.u32 s26, $0x7  }
0x174: {  	s4 =	sadd.s32 $0x30, s25;
	s5 =	sadd.s32 $0x180, s7  }
0x175: {  	s9 =	sand.u32 $0x70, s4;
	s5 =	sand.u32 $0xFFFFFC00, s5  }
0x176: {  	s5 =	sor.u32 s9, s5  }
0x177: {  	[tilespmem:s5+$0x5A00] =	vst v1  }
0x178: {  	s22 =	sadd.s32 $0xFFFFFFD0, s4;
	[tilespmem:s5+$0x5880] =	vst v1  }
0x179: {  	s10 =	sand.u32 $0xFFFFFC00, s7;
	s9 =	sand.u32 $0x70, s22;
	[tilespmem:s5+$0x5900] =	vst v1  }
0x17a: {  	s9 =	sor.u32 s9, s10;
	[tilespmem:s5+$0x5980] =	vst v1  }
0x17b: {  	s23 =	sadd.s32 $0xFFFFFFE0, s4;
	s24 =	sadd.s32 $0x80, s7;
	[tilespmem:s9+$0x5880] =	vst v1  }
0x17c: {  	s5 =	sand.u32 $0x70, s23;
	s10 =	sand.u32 $0xFFFFFC00, s24;
	[tilespmem:s9+$0x5900] =	vst v1  }
0x17d: {  	[tilespmem:s9+$0x5980] =	vst v1;
	s10 =	sor.u32 s5, s10;
	s5 =	sadd.s32 $0x4, s26  }
0x17e: {  	[tilespmem:s9+$0x5A00] =	vst v1;
	p1 =	slt.s32 s5, s18  }
.Ltmp15:
0x17f: {  	[tilespmem:s10+$0x5880] =	vst v1;
	(pc) =	sbr.rel @!p1 .LBB2_22-.Ltmp15, $4  }
0x180: {  	s28 =	sadd.s32 $0xFFFFFFF0, s4;
	s11 =	sadd.s32 $0x100, s7;
	[tilespmem:s10+$0x5900] =	vst v1  }
0x181: {  	s11 =	sand.u32 $0xFFFFFC00, s11;
	s9 =	sand.u32 $0x70, s28;
	[tilespmem:s10+$0x5980] =	vst v1  }
0x182: {  	s9 =	sor.u32 s9, s11;
	[tilespmem:s10+$0x5A00] =	vst v1  }
0x183: {  	s7 =	sadd.s32 $0x200, s7;
	[tilespmem:s9+$0x5880] =	vst v1  }
.LBB2_21:
0x184: {  	s10 =	sadd.s32 $0x180, s7;
	s5 =	sadd.s32 $0x4, s5;
	[tilespmem:s9+$0x5900] =	vst v1;
	s4 =	sadd.s32 $0x40, s4  }
0x185: {  	s11 =	sand.u32 $0x70, s4;
	s10 =	sand.u32 $0xFFFFFC00, s10;
	p1 =	slt.s32 s5, s18;
	[tilespmem:s9+$0x5980] =	vst v1  }
0x186: {  	s14 =	sadd.s32 $0x80, s7;
	s13 =	sadd.s32 $0xFFFFFFE0, s4;
	s10 =	sor.u32 s11, s10;
	[tilespmem:s9+$0x5A00] =	vst v1  }
0x187: {  	s15 =	sadd.s32 $0x100, s7;
	s9 =	sadd.s32 $0xFFFFFFD0, s4;
	s11 =	sadd.s32 $0xFFFFFFF0, s4;
	[tilespmem:s10+$0x5A00] =	vst v1  }
0x188: {  	s14 =	sand.u32 $0xFFFFFC00, s14;
	s13 =	sand.u32 $0x70, s13;
	s9 =	sand.u32 $0x70, s9;
	[tilespmem:s10+$0x5880] =	vst v1  }
0x189: {  	s22 =	sand.u32 $0xFFFFFC00, s7;
	s15 =	sand.u32 $0xFFFFFC00, s15;
	s11 =	sand.u32 $0x70, s11;
	[tilespmem:s10+$0x5900] =	vst v1  }
0x18a: {  	s13 =	sor.u32 s13, s14;
	s22 =	sor.u32 s9, s22;
	s9 =	sor.u32 s11, s15;
	[tilespmem:s10+$0x5980] =	vst v1  }
0x18b: {  	[tilespmem:s22+$0x5880] =	vst v1  }
0x18c: {  	[tilespmem:s22+$0x5900] =	vst v1  }
0x18d: {  	[tilespmem:s22+$0x5980] =	vst v1  }
0x18e: {  	[tilespmem:s22+$0x5A00] =	vst v1  }
.Ltmp16:
0x18f: {  	[tilespmem:s13+$0x5880] =	vst v1;
	(pc) =	sbr.rel @p1 .LBB2_21-.Ltmp16, $4  }
0x190: {  	[tilespmem:s13+$0x5900] =	vst v1  }
0x191: {  	[tilespmem:s13+$0x5980] =	vst v1  }
0x192: {  	[tilespmem:s13+$0x5A00] =	vst v1  }
0x193: {  	s7 =	sadd.s32 $0x200, s7;
	[tilespmem:s9+$0x5880] =	vst v1  }
.LBB2_22:
0x194: {  	[tilespmem:s9+$0x5900] =	vst v1  }
0x195: {  	[tilespmem:s9+$0x5980] =	vst v1  }
0x196: {  	[tilespmem:s9+$0x5A00] =	vst v1  }
.LBB2_23:
0x197: {  	p2 =	sgt.s32 s18, $0xFF  }
.Ltmp17:
0x198: {  	_ = 	snop;
	(pc) =	sbr.rel @p2 .LBB2_26-.Ltmp17, $4  }
0x199: {  	_ = 	snop  }
0x19a: {  	s23 =	ssub.s32 s0, s1  }
0x19b: {  	s0 =	sshll.u32 s23, $0x7;
	s1 =	sshll.u32 s23, $0x4  }
0x19c: {  	s24 =	ssub.s32 $0x8000, s0;
	s28 =	ssub.s32 $0x1000, s1  }
0x19d: {  	s0 =	ssub.s32 $0x8000, s0;
	s1 =	ssub.s32 $0x1000, s1;
	s4 =	smov.u32 s23  }
.LBB2_25:
0x19e: {  	s5 =	sand.u32 $0x70, s1;
	s7 =	sand.u32 $0xFFFFFC00, s0;
	p1 =	sne.s32 s4, $0x1  }
.Ltmp18:
0x19f: {  	s5 =	sor.u32 s5, s7;
	(pc) =	sbr.rel @p1 .LBB2_25-.Ltmp18, $4  }
0x1a0: {  	[tilespmem:s5+$0x5880] =	vst v1  }
0x1a1: {  	[tilespmem:s5+$0x5900] =	vst v1  }
0x1a2: {  	[tilespmem:s5+$0x5980] =	vst v1  }
0x1a3: {  	s0 =	sadd.s32 $0x80, s0;
	s1 =	sadd.s32 $0x10, s1;
	s4 =	sadd.s32 $0xFFFFFFFF, s4;
	[tilespmem:s5+$0x5A00] =	vst v1  }
.LBB2_26:
0x1a4: {  	s0 =	simm.s32 $0x5880  }
0x1a5: {  	s1 =	simm.s32 $0x80;
	s5 =	sadd.s32 $0x0, s3;
	s4 =	simm.s32 $0x5C80  }
.LBB2_27:
0x1a6: {  	[hbm4b:s5+s2] =	stream.linear.scatter [tilespmem:s0], [sflag:$0x2], $0x200, $0x38;
	[tilespmem:$0xD880] =	vst v63  }
0x1a7: {  	s5 =	smov.u32 s1;
	s0 =	smov.u32 s4;
	p1 =	seq.s32 s1, $0xF80  }
.Ltmp19:
0x1a8: {  	s1 =	sadd.s32 $0x80, s1;
	(pc) =	sbr.rel @!p1 .LBB2_27-.Ltmp19, $2  }
0x1a9: {  	_ =	sdelay $0x2  }
0x1aa: {  	s4 =	sadd.s32 $0x400, s4;
	s5 =	sadd.s32 s5, s3  }
.Ltmp20:
0x1ab: {  	(pc) =	sbr.rel @p4 .LBB2_38-.Ltmp20, $2  }
0x1ac: {  	_ =	sdelay $0x2  }
0x1ad: {  	[hbm4b:s5+s2] =	stream.linear.scatter [tilespmem:s0], [sflag:$0x2], $0x200, $0x38;
	[tilespmem:$0xD880] =	vst v63  }
0x1ae: {  	s0 =	simm.s32 @!p2 $0x0;
	[dreg:$0xc] =	wrdreg s29  }
0x1af: {  	[dreg:$0xa] =	wrdreg s28;
	s0 =	simm.s32 @p2 $0x1  }
0x1b0: {  	[smem:$0x7FC] =	sst s0;
	s0 =	simm.s32 @!p5 $0x0  }
0x1b1: {  	[dreg:$0x7] =	wrdreg s30;
	s0 =	simm.s32 @p5 $0x1  }
0x1b2: {  	s22 =	simm.s32 $0x0;
	s15 =	simm.s32 $0x800;
	[smem:$0x7FD] =	sst s0  }
0x1b3: {  	s30 =	sand.u32 $0xFFFFFFC0, s22;
	v3 =	vld [tilespmem:s15+$0x0]  }
0x1b4: {  	v4 =	vld [tilespmem:s30+$0x830]  }
0x1b5: {  	v8 =	vld [tilespmem:s30+$0x810]  }
0x1b6: {  	v9 =	vld [tilespmem:s30+$0x820]  }
0x1b7: {  	p1 =	sgt.s32 s17, $0x4  }
.Ltmp21:
0x1b8: {  	v5 =	vshll.u32 v3, $0x3;
	(pc) =	sbr.rel @!p1 .LBB2_30-.Ltmp21, $4  }
0x1b9: {  	v3 =	vand.u32 $0x7F, v3;
	v5 =	vand.u32 $0xFFFFFC00, v5  }
0x1ba: {  	v63 =	vshll.u32 v8, $0x3;
	v10 =	vor.u32 v3, v5;
	v3 =	vshll.u32 v4, $0x3  }
0x1bb: {  	p6 =	por $0x0, $0x0;
	v23 =	vshll.u32 v9, $0x3;
	v4 =	vand.u32 $0x7F, v4;
	v3 =	vand.u32 $0xFFFFFC00, v3  }
0x1bc: {  	p2 =	por $0x0, $0x0;
	p5 =	por $0x0, $0x0;
	s0 =	simm.s32 $0x840;
	v22 =	vand.u32 $0xFFFFFC00, v63;
	v12 =	vor.u32 $0x200, v10;
	v17 =	vor.u32 v4, v3  }
0x1bd: {  	v3 =	vor.u32 $0x200, v17;
	_ =	sdelay $0x1  }
0x1be: {  	v4 =	vand.u32 $0x7F, v8  }
0x1bf: {  	v5 =	vand.u32 $0xFFFFFC00, v23;
	v6 =	vand.u32 $0x7F, v9;
	v4 =	vor.u32 v4, v22  }
0x1c0: {  	s1 =	simm.s32 $0x1;
	v11 =	vld [tilespmem:s0+$0x0];
	v5 =	vor.u32 v6, v5;
	v7 =	vor.u32 $0x200, v4  }
0x1c1: {  	s11 =	simm.s32 $0x40;
	s1 =	simm.s32 @!p2 $0x0;
	v6 =	vor.u32 $0x200, v5;
	v3 =	vld.idx.msk [tilespmem:v3+s8+$0x0], $0xffff  }
0x1c2: {  	v8 =	vor.u32 $0x280, v17;
	v12 =	vld.idx.msk [tilespmem:v12+s8+$0x0], $0xffff;
	s10 =	sshll.u32 s1, $0x6;
	s1 =	sand.u32 $0xFFFFFFC0, s11  }
0x1c3: {  	s0 =	sadd.s32 $0x0, s10;
	v19 =	vld [tilespmem:s1+$0x830]  }
0x1c4: {  	v9 =	vld [tilespmem:s1+$0x820];
	s13 =	sadd.s32 $0x30, s0  }
0x1c5: {  	s4 =	sor.u32 $0x200, s13;
	v7 =	vld.idx.msk [tilespmem:v7+s8+$0x0], $0xffff  }
0x1c6: {  	v16 =	vor.u32 $0x280, v10;
	v6 =	vld.idx.msk [tilespmem:v6+s8+$0x0], $0xffff;
	[tilespmem:s4+$0x5880] =	vst v3  }
0x1c7: {  	v14 =	vor.u32 $0x280, v4;
	v20 =	vld.idx.msk [tilespmem:v8+s8+$0x0], $0xffff  }
0x1c8: {  	p1 =	sgt.s32 s17, $0x8;
	v15 =	vor.u32 $0x280, v5;
	v8 =	vld [tilespmem:s1+$0x810]  }
0x1c9: {  	v21 =	vor.u32 $0x300, v17;
	v18 =	vor.u32 $0x380, v4;
	s7 =	sadd.s32 $0x10, s0;
	s9 =	sadd.s32 $0x20, s0;
	s15 =	sor.u32 $0x200, s0;
	v13 =	vshll.u32 v11, $0x3  }
.Ltmp22:
0x1ca: {  	s11 =	sor.u32 $0x280, s0;
	s14 =	sor.u32 $0x200, s7;
	[tilespmem:s15+$0x5880] =	vst v12;
	v23 =	vshll.u32 v9, $0x3;
	v3 =	vor.u32 $0x300, v4;
	v4 =	vor.u32 $0x300, v5;
	(pc) =	sbr.rel @!p1 .LBB2_52-.Ltmp22, $4  }
0x1cb: {  	p5 =	por $0x1, $0x1;
	s10 =	sor.u32 $0x300, s0;
	s5 =	sor.u32 $0x200, s9;
	v16 =	vld.idx.msk [tilespmem:v16+s8+$0x0], $0xffff;
	[tilespmem:s14+$0x5880] =	vst v7;
	v7 =	vand.u32 $0x7F, v11;
	v11 =	vand.u32 $0xFFFFFC00, v13;
	v13 =	vor.u32 $0x380, v5  }
0x1cc: {  	s28 =	sor.u32 $0x280, s7;
	s30 =	sor.u32 $0x280, s9;
	[tilespmem:s5+$0x5880] =	vst v6;
	v5 =	vshll.u32 v19, $0x3;
	s14 =	sor.u32 $0x280, s13;
	v19 =	vand.u32 $0x7F, v19;
	v6 =	vor.u32 v7, v11;
	v14 =	vld.idx.msk [tilespmem:v14+s8+$0x0], $0xffff  }
0x1cd: {  	s29 =	sor.u32 $0x380, s7;
	s4 =	sor.u32 $0x300, s9;
	s1 =	sor.u32 $0x380, s0;
	v15 =	vld.idx.msk [tilespmem:v15+s8+$0x0], $0xffff;
	v11 =	vor.u32 $0x300, v10;
	v5 =	vand.u32 $0xFFFFFC00, v5;
	v7 =	vshll.u32 v8, $0x3;
	[tilespmem:s14+$0x5880] =	vst v20  }
0x1ce: {  	s0 =	sor.u32 $0x380, s9;
	s5 =	sor.u32 $0x300, s7;
	s7 =	simm.s32 $0x880;
	v12 =	vor.u32 $0x200, v6;
	v22 =	vand.u32 $0xFFFFFC00, v7;
	v7 =	vor.u32 v19, v5;
	v20 =	vld.idx.msk [tilespmem:v21+s8+$0x0], $0xffff  }
0x1cf: {  	[dreg:$0xb] =	wrdreg s26  }
0x1d0: {  	[dreg:$0x9] =	wrdreg s25  }
0x1d1: {  	[dreg:$0x8] =	wrdreg s16  }
0x1d2: {  	v5 =	vld [tilespmem:s7+$0x0]  }
0x1d3: {  	v8 =	vand.u32 $0x7F, v8;
	v19 =	vand.u32 $0xFFFFFC00, v23;
	v21 =	vor.u32 $0x200, v7;
	s15 =	simm.s32 $0x80;
	v12 =	vld.idx.msk [tilespmem:v12+s8+$0x0], $0xffff;
	[tilespmem:s11+$0x5880] =	vst v16  }
0x1d4: {  	v22 =	vor.u32 v8, v22;
	v8 =	vand.u32 $0x7F, v9;
	v9 =	vor.u32 $0x380, v17;
	s31 =	sand.u32 $0xFFFFFFC0, s15;
	v11 =	vld.idx.msk [tilespmem:v11+s8+$0x0], $0xffff  }
0x1d5: {  	[tilespmem:s28+$0x5880] =	vst v14;
	v14 =	vor.u32 $0x200, v22;
	v17 =	vor.u32 v8, v19;
	v23 =	vld [tilespmem:s31+$0x830]  }
0x1d6: {  	v3 =	vld.idx.msk [tilespmem:v3+s8+$0x0], $0xffff;
	[tilespmem:s30+$0x5880] =	vst v15;
	v8 =	vor.u32 $0x200, v17  }
0x1d7: {  	s26 =	sor.u32 $0x300, s13;
	p1 =	por $0x0, $0x0;
	v4 =	vld.idx.msk [tilespmem:v4+s8+$0x0], $0xffff  }
0x1d8: {  	p4 =	por !p1, !p1;
	s7 =	simm.s32 $0x1;
	[tilespmem:s26+$0x5880] =	vst v20;
	v15 =	vld.idx.msk [tilespmem:v21+s8+$0x0], $0xffff  }
0x1d9: {  	s7 =	simm.s32 @!p4 $0x0;
	v9 =	vld.idx.msk [tilespmem:v9+s8+$0x0], $0xffff  }
0x1da: {  	v16 =	vor.u32 $0x280, v7;
	s7 =	sshll.u32 s7, $0x6;
	v14 =	vld.idx.msk [tilespmem:v14+s8+$0x0], $0xffff  }
0x1db: {  	s9 =	sadd.s32 $0x200, s7;
	[tilespmem:s10+$0x5880] =	vst v11;
	v19 =	vld.idx.msk [tilespmem:v8+s8+$0x0], $0xffff  }
0x1dc: {  	s22 =	sadd.s32 $0x30, s9;
	[tilespmem:s5+$0x5880] =	vst v3;
	v8 =	vld [tilespmem:s31+$0x810]  }
0x1dd: {  	s11 =	sor.u32 $0x200, s22;
	v11 =	vor.u32 $0x280, v6;
	v18 =	vld.idx.msk [tilespmem:v18+s8+$0x0], $0xffff;
	[tilespmem:s4+$0x5880] =	vst v4  }
0x1de: {  	v4 =	vor.u32 $0x280, v22;
	v20 =	vld.idx.msk [tilespmem:v13+s8+$0x0], $0xffff;
	[tilespmem:s11+$0x5880] =	vst v15  }
0x1df: {  	p2 =	por $0x0, $0x0;
	s13 =	sor.u32 $0x380, s13;
	v21 =	vor.u32 $0x280, v17;
	v24 =	vld.idx.msk [tilespmem:v16+s8+$0x0], $0xffff  }
0x1e0: {  	v25 =	vor.u32 $0x380, v10;
	p6 =	por $0x1, $0x1;
	s14 =	sadd.s32 $0x10, s9;
	v13 =	vshll.u32 v5, $0x3;
	[tilespmem:s13+$0x5880] =	vst v9;
	v9 =	vld [tilespmem:s31+$0x820];
	s31 =	sor.u32 $0x200, s9  }
0x1e1: {  	v26 =	vor.u32 $0x300, v7;
	p1 =	sgt.s32 s17, $0xC;
	s26 =	sadd.s32 $0x20, s9;
	s16 =	sor.u32 $0x200, s14;
	v5 =	vand.u32 $0x7F, v5;
	v15 =	vand.u32 $0xFFFFFC00, v13;
	[tilespmem:s31+$0x5880] =	vst v12  }
.Ltmp23:
0x1e2: {  	v10 =	vor.u32 $0x380, v22;
	s7 =	simm.s32 $0x200;
	s25 =	sor.u32 $0x200, s26;
	[tilespmem:s16+$0x5880] =	vst v14;
	v5 =	vor.u32 v5, v15;
	v16 =	vld.idx.msk [tilespmem:v11+s8+$0x0], $0xffff;
	(pc) =	sbr.rel @!p1 .LBB2_54-.Ltmp23, $4  }
0x1e3: {  	s28 =	sor.u32 $0x280, s14;
	s30 =	sor.u32 $0x280, s26;
	s10 =	sor.u32 $0x300, s9;
	v3 =	vor.u32 $0x300, v22;
	v13 =	vor.u32 $0x380, v17;
	[tilespmem:s25+$0x5880] =	vst v19;
	v12 =	vor.u32 $0x200, v5;
	v14 =	vld.idx.msk [tilespmem:v4+s8+$0x0], $0xffff  }
0x1e4: {  	s5 =	sor.u32 $0x300, s14;
	s4 =	sor.u32 $0x300, s26;
	s31 =	sor.u32 $0x280, s22;
	v11 =	vor.u32 $0x300, v6;
	v4 =	vor.u32 $0x300, v17;
	v15 =	vld.idx.msk [tilespmem:v21+s8+$0x0], $0xffff;
	[tilespmem:s29+$0x5880] =	vst v18;
	v17 =	vshll.u32 v23, $0x3  }
0x1e5: {  	s11 =	sor.u32 $0x280, s9;
	s13 =	simm.s32 $0xC;
	s9 =	sor.u32 $0x380, s9;
	v19 =	vand.u32 $0x7F, v23;
	v18 =	vshll.u32 v8, $0x3;
	v21 =	vld.idx.msk [tilespmem:v25+s8+$0x0], $0xffff;
	v17 =	vand.u32 $0xFFFFFC00, v17;
	[tilespmem:s31+$0x5880] =	vst v24  }
0x1e6: {  	s29 =	sor.u32 $0x380, s14;
	s14 =	sor.u32 $0x380, s26;
	[tilespmem:s0+$0x5880] =	vst v20;
	v22 =	vand.u32 $0xFFFFFC00, v18;
	s0 =	simm.s32 $0x8C0;
	v23 =	vshll.u32 v9, $0x3;
	v19 =	vor.u32 v19, v17;
	v20 =	vld.idx.msk [tilespmem:v26+s8+$0x0], $0xffff  }
.LBB2_55:
0x1e7: {  	v17 =	vld [tilespmem:s0+$0x0];
	v8 =	vand.u32 $0x7F, v8;
	v18 =	vand.u32 $0xFFFFFC00, v23;
	v23 =	vor.u32 $0x200, v19  }
0x1e8: {  	v9 =	vand.u32 $0x7F, v9;
	v12 =	vld.idx.msk [tilespmem:v12+s8+$0x0], $0xffff;
	v8 =	vor.u32 v8, v22;
	[tilespmem:s28+$0x5880] =	vst v14;
	v14 =	vor.u32 $0x380, v7;
	v7 =	vmovc v19  }
0x1e9: {  	v9 =	vor.u32 v9, v18;
	v19 =	vor.u32 $0x200, v8;
	v22 =	vor.u32 $0x280, v8;
	v18 =	vld.idx.msk [tilespmem:v3+s8+$0x0], $0xffff;
	[tilespmem:s30+$0x5880] =	vst v15  }
0x1ea: {  	v3 =	vor.u32 $0x300, v8;
	v15 =	vor.u32 $0x200, v9;
	v24 =	vor.u32 $0x280, v9;
	[tilespmem:s11+$0x5880] =	vst v16;
	v16 =	vld.idx.msk [tilespmem:v4+s8+$0x0], $0xffff  }
0x1eb: {  	v8 =	vor.u32 $0x380, v8;
	v4 =	vor.u32 $0x300, v9;
	v9 =	vor.u32 $0x380, v9;
	s11 =	sor.u32 $0x300, s22;
	v11 =	vld.idx.msk [tilespmem:v11+s8+$0x0], $0xffff;
	[tilespmem:s1+$0x5880] =	vst v21;
	s1 =	smov.u32 s9  }
0x1ec: {  	p4 =	por !p4, !p4;
	s9 =	simm.s32 $0x1;
	v21 =	vld.idx.msk [tilespmem:v23+s8+$0x0], $0xffff;
	[tilespmem:s11+$0x5880] =	vst v20  }
0x1ed: {  	s9 =	simm.s32 @!p4 $0x0;
	v14 =	vld.idx.msk [tilespmem:v14+s8+$0x0], $0xffff  }
0x1ee: {  	s7 =	sadd.s32 $0x200, s7;
	v20 =	vor.u32 $0x280, v7;
	s9 =	sshll.u32 s9, $0x6;
	v19 =	vld.idx.msk [tilespmem:v19+s8+$0x0], $0xffff  }
0x1ef: {  	s15 =	sadd.s32 $0x40, s15;
	s9 =	sadd.s32 s9, s7;
	v15 =	vld.idx.msk [tilespmem:v15+s8+$0x0], $0xffff;
	[tilespmem:s5+$0x5880] =	vst v18  }
0x1f0: {  	s13 =	sadd.s32 $0x4, s13;
	s26 =	sadd.s32 $0x10, s9;
	s31 =	sadd.s32 $0x30, s9;
	v18 =	vld.idx.msk [tilespmem:v10+s8+$0x0], $0xffff;
	[tilespmem:s4+$0x5880] =	vst v16;
	v10 =	vmov v8  }
0x1f1: {  	s16 =	sadd.s32 $0x20, s9;
	s4 =	sand.u32 $0xFFFFFFC0, s15;
	s5 =	sor.u32 $0x200, s31;
	[tilespmem:s10+$0x5880] =	vst v11;
	v23 =	vld.idx.msk [tilespmem:v13+s8+$0x0], $0xffff;
	v13 =	vmov v9  }
0x1f2: {  	p1 =	slt.s32 s13, s17;
	s10 =	sor.u32 $0x200, s26;
	v25 =	vld [tilespmem:s4+$0x830];
	[tilespmem:s5+$0x5880] =	vst v21;
	s5 =	sor.u32 $0x380, s22  }
0x1f3: {  	s11 =	sor.u32 $0x280, s9;
	s25 =	sor.u32 $0x200, s16;
	v11 =	vor.u32 $0x280, v5;
	s22 =	sor.u32 $0x200, s9;
	v20 =	vld.idx.msk [tilespmem:v20+s8+$0x0], $0xffff;
	[tilespmem:s5+$0x5880] =	vst v14  }
0x1f4: {  	s28 =	sor.u32 $0x280, s26;
	s30 =	sor.u32 $0x280, s16;
	v9 =	vshll.u32 v17, $0x3;
	s5 =	sor.u32 $0x300, s26;
	v8 =	vld [tilespmem:s4+$0x810];
	[tilespmem:s10+$0x5880] =	vst v19;
	v19 =	vor.u32 $0x380, v6;
	v6 =	vmov v5  }
0x1f5: {  	v14 =	vand.u32 $0xFFFFFC00, v9;
	v5 =	vand.u32 $0x7F, v17;
	s10 =	sor.u32 $0x300, s9;
	v17 =	vor.u32 $0x300, v7;
	s9 =	sor.u32 $0x380, s9;
	v9 =	vld [tilespmem:s4+$0x820];
	[tilespmem:s25+$0x5880] =	vst v15;
	s4 =	sor.u32 $0x300, s16  }
.Ltmp24:
0x1f6: {  	v5 =	vor.u32 v5, v14;
	s25 =	sor.u32 $0x380, s26;
	s16 =	sor.u32 $0x380, s16;
	[tilespmem:s22+$0x5880] =	vst v12;
	v14 =	vld.idx.msk [tilespmem:v22+s8+$0x0], $0xffff;
	(pc) =	sbr.rel @p1 .LBB2_55-.Ltmp24, $4  }
0x1f7: {  	v12 =	vor.u32 $0x200, v5;
	s22 =	smov.u32 s31;
	v15 =	vld.idx.msk [tilespmem:v24+s8+$0x0], $0xffff;
	[tilespmem:s29+$0x5880] =	vst v18;
	s29 =	smov.u32 s25  }
0x1f8: {  	v18 =	vshll.u32 v25, $0x3;
	s25 =	sor.u32 $0x280, s22;
	v16 =	vld.idx.msk [tilespmem:v11+s8+$0x0], $0xffff;
	v11 =	vor.u32 $0x300, v6;
	[tilespmem:s14+$0x5880] =	vst v23;
	s14 =	smov.u32 s16  }
0x1f9: {  	v24 =	vand.u32 $0x7F, v25;
	v18 =	vand.u32 $0xFFFFFC00, v18;
	v22 =	vshll.u32 v8, $0x3;
	[tilespmem:s25+$0x5880] =	vst v20;
	v21 =	vld.idx.msk [tilespmem:v19+s8+$0x0], $0xffff  }
0x1fa: {  	s0 =	sadd.s32 $0x40, s0;
	v19 =	vor.u32 v24, v18;
	v22 =	vand.u32 $0xFFFFFC00, v22;
	v23 =	vshll.u32 v9, $0x3;
	v20 =	vld.idx.msk [tilespmem:v17+s8+$0x0], $0xffff  }
0x1fb: {  	s15 =	smov.u32 s1;
	s13 =	smov.u32 s22;
	s16 =	rddreg [dreg:$0x8]  }
0x1fc: {  	s1 =	smov.u32 s9;
	s0 =	smov.u32 s14;
	s25 =	rddreg [dreg:$0x9]  }
0x1fd: {  	v17 =	vmov v7;
	v18 =	vmov v10;
	v10 =	vmov v6;
	s31 =	simm.s32 $0x2;
	s26 =	rddreg [dreg:$0xb];
	s22 =	simm.s32 $0x0  }
.LBB2_57:
0x1fe: {  	v6 =	vand.u32 $0x7F, v8;
	v7 =	vand.u32 $0xFFFFFC00, v23  }
0x1ff: {  	v52 =	vor.u32 $0x200, v19;
	v9 =	vand.u32 $0x7F, v9;
	v6 =	vor.u32 v6, v22  }
0x200: {  	v7 =	vor.u32 v9, v7;
	v22 =	vor.u32 $0x200, v6  }
0x201: {  	v9 =	vor.u32 $0x200, v7  }
0x202: {  	v12 =	vld.idx.msk [tilespmem:v12+s8+$0x0], $0xffff;
	[tilespmem:s28+$0x5880] =	vst @p5 v14;
	p1 =	por @p5 !p4, !p4  }
0x203: {  	s9 =	simm.s32 $0x1;
	v3 =	vld.idx.msk @p5 [tilespmem:v3+s8+$0x0], $0xffff;
	p1 =	por @!p5 p2, p2  }
0x204: {  	v14 =	vor.u32 @p5 $0x380, v17;
	[tilespmem:s30+$0x5880] =	vst @p5 v15;
	s7 =	sadd.s32 @p5 $0x200, s7;
	s9 =	simm.s32 @!p1 $0x0;
	v8 =	vld.idx.msk [tilespmem:v52+s8+$0x0], $0xffff  }
0x205: {  	[tilespmem:s11+$0x5880] =	vst @p5 v16;
	v54 =	vor.u32 $0x280, v19;
	s22 =	smov.u32 @p5 s7;
	s9 =	sshll.u32 s9, $0x6;
	v53 =	vld.idx.msk [tilespmem:v22+s8+$0x0], $0xffff  }
0x206: {  	s11 =	sor.u32 @p5 $0x300, s13;
	[tilespmem:s15+$0x5880] =	vst @p6 v21;
	v55 =	vor.u32 $0x280, v6;
	s7 =	sadd.s32 s9, s22;
	v9 =	vld.idx.msk [tilespmem:v9+s8+$0x0], $0xffff  }
0x207: {  	v4 =	vld.idx.msk @p5 [tilespmem:v4+s8+$0x0], $0xffff;
	[tilespmem:s11+$0x5880] =	vst @p5 v20;
	v56 =	vor.u32 $0x280, v7;
	s9 =	sadd.s32 $0x30, s7  }
0x208: {  	v11 =	vld.idx.msk @p5 [tilespmem:v11+s8+$0x0], $0xffff;
	[tilespmem:s5+$0x5880] =	vst @p5 v3;
	s5 =	sadd.s32 $0x10, s7;
	s15 =	sor.u32 $0x200, s9;
	v3 =	vor.u32 $0x280, v5  }
0x209: {  	v14 =	vld.idx.msk @p5 [tilespmem:v14+s8+$0x0], $0xffff;
	s14 =	sadd.s32 $0x20, s7;
	s22 =	sor.u32 $0x200, s5;
	[tilespmem:s15+$0x5880] =	vst v8  }
0x20a: {  	s11 =	sor.u32 $0x200, s14;
	v8 =	vld.idx.msk [tilespmem:v54+s8+$0x0], $0xffff;
	[tilespmem:s22+$0x5880] =	vst v53  }
0x20b: {  	v57 =	vor.u32 $0x300, v19;
	s22 =	sor.u32 $0x200, s7;
	[tilespmem:s11+$0x5880] =	vst v9;
	v15 =	vld.idx.msk [tilespmem:v55+s8+$0x0], $0xffff  }
0x20c: {  	v58 =	vor.u32 $0x300, v6;
	[tilespmem:s22+$0x5880] =	vst v12;
	v59 =	vld.idx.msk [tilespmem:v56+s8+$0x0], $0xffff  }
0x20d: {  	v60 =	vor.u32 $0x300, v7;
	[tilespmem:s4+$0x5880] =	vst @p5 v4;
	v3 =	vld.idx.msk [tilespmem:v3+s8+$0x0], $0xffff  }
0x20e: {  	v61 =	vor.u32 $0x300, v5;
	[tilespmem:s10+$0x5880] =	vst @p5 v11;
	s10 =	sor.u32 $0x280, s9;
	v4 =	vld.idx.msk @p5 [tilespmem:v18+s8+$0x0], $0xffff  }
0x20f: {  	v10 =	vor.u32 @p5 $0x380, v10;
	v13 =	vld.idx.msk @p5 [tilespmem:v13+s8+$0x0], $0xffff;
	s11 =	sor.u32 $0x280, s5;
	[tilespmem:s10+$0x5880] =	vst v8  }
0x210: {  	s15 =	sor.u32 $0x280, s14;
	v8 =	vld.idx.msk [tilespmem:v57+s8+$0x0], $0xffff;
	[tilespmem:s11+$0x5880] =	vst v15  }
0x211: {  	v62 =	vor.u32 $0x380, v19;
	s22 =	sor.u32 $0x280, s7;
	[tilespmem:s15+$0x5880] =	vst v59;
	v15 =	vld.idx.msk [tilespmem:v58+s8+$0x0], $0xffff  }
0x212: {  	v6 =	vor.u32 $0x380, v6;
	s4 =	sor.u32 @p5 $0x380, s13;
	[tilespmem:s22+$0x5880] =	vst v3;
	v3 =	vld.idx.msk [tilespmem:v60+s8+$0x0], $0xffff  }
0x213: {  	v7 =	vor.u32 $0x380, v7;
	[tilespmem:s4+$0x5880] =	vst @p5 v14;
	v11 =	vld.idx.msk [tilespmem:v61+s8+$0x0], $0xffff  }
0x214: {  	v63 =	vor.u32 $0x380, v5;
	[tilespmem:s29+$0x5880] =	vst @p5 v4;
	v4 =	vld.idx.msk @p5 [tilespmem:v10+s8+$0x0], $0xffff;
	s11 =	sor.u32 $0x300, s9  }
0x215: {  	s13 =	sor.u32 $0x300, s5;
	[tilespmem:s11+$0x5880] =	vst v8  }
0x216: {  	s15 =	sor.u32 $0x300, s14;
	v8 =	vld.idx.msk [tilespmem:v62+s8+$0x0], $0xffff;
	[tilespmem:s13+$0x5880] =	vst v15  }
0x217: {  	s22 =	sor.u32 $0x300, s7;
	[tilespmem:s15+$0x5880] =	vst v3;
	v6 =	vld.idx.msk [tilespmem:v6+s8+$0x0], $0xffff  }
0x218: {  	[tilespmem:s22+$0x5880] =	vst v11;
	v3 =	vld.idx.msk [tilespmem:v7+s8+$0x0], $0xffff  }
0x219: {  	[tilespmem:s0+$0x5880] =	vst @p5 v13;
	s0 =	smov.u32 @p5 s1;
	v4 =	vpsel p5, v4, v0;
	v5 =	vld.idx.msk [tilespmem:v63+s8+$0x0], $0xffff  }
0x21a: {  	[tilespmem:s0+$0x5880] =	vst @p5 v4;
	s11 =	sor.u32 $0x380, s9  }
0x21b: {  	s13 =	sor.u32 $0x380, s5;
	[tilespmem:s11+$0x5880] =	vst v8  }
0x21c: {  	s14 =	sor.u32 $0x380, s14;
	[tilespmem:s13+$0x5880] =	vst v6  }
0x21d: {  	s15 =	sor.u32 $0x380, s7;
	[tilespmem:s14+$0x5880] =	vst v3  }
0x21e: {  	[tilespmem:s15+$0x5880] =	vst v5  }
0x21f: {  	s0 =	sld [smem:$0x7FD]  }
0x220: {  	s22 =	sld [smem:$0x7FC]  }
0x221: {  	s30 =	rddreg [dreg:$0x7]  }
0x222: {  	s28 =	rddreg [dreg:$0xa]  }
0x223: {  	s29 =	rddreg [dreg:$0xc];
	p5 =	seq.s32 s0, $0x1;
	p2 =	seq.s32 s22, $0x1  }
.LBB2_38:
.Ltmp25:
0x224: {  	(pc) =	sbr.rel @p5 .LBB2_41-.Ltmp25, $1  }
0x225: {  	_ =	sdelay $0x3  }
0x226: {  	s0 =	rddreg [dreg:$0xe]  }
0x227: {  	s0 =	sadd.s32 $0x800, s0  }
.LBB2_40:
0x228: {  	v3 =	vld [tilespmem:s0+$0x0];
	_ =	sdelay $0x4  }
0x229: {  	v4 =	vshll.u32 v3, $0x3  }
0x22a: {  	v3 =	vand.u32 $0x7F, v3;
	v4 =	vand.u32 $0xFFFFFC00, v4  }
0x22b: {  	v3 =	vor.u32 v3, v4  }
0x22c: {  	v4 =	vor.u32 $0x200, v3;
	_ =	sdelay $0x4  }
0x22d: {  	v4 =	vld.idx.msk [tilespmem:v4+s8+$0x0], $0xffff  }
0x22e: {  	v5 =	vor.u32 $0x280, v3;
	_ =	sdelay $0x1  }
0x22f: {  	s1 =	sand.u32 $0x70, s21;
	s4 =	sand.u32 $0xFFFFFC00, s20  }
0x230: {  	s4 =	sor.u32 s1, s4  }
0x231: {  	[tilespmem:s4+$0x5A80] =	vst v4  }
0x232: {  	v4 =	vld.idx.msk [tilespmem:v5+s8+$0x0], $0xffff  }
0x233: {  	v63 =	vor.u32 $0x300, v3;
	_ =	sdelay $0x3  }
0x234: {  	[tilespmem:s4+$0x5B00] =	vst v4  }
0x235: {  	v4 =	vld.idx.msk [tilespmem:v63+s8+$0x0], $0xffff  }
0x236: {  	v3 =	vor.u32 $0x380, v3;
	_ =	sdelay $0x3  }
0x237: {  	s17 =	sadd.s32 $0x1, s17;
	[tilespmem:s4+$0x5B80] =	vst v4  }
0x238: {  	p1 =	slt.s32 s17, s16;
	v3 =	vld.idx.msk [tilespmem:v3+s8+$0x0], $0xffff  }
.Ltmp26:
0x239: {  	_ = 	snop;
	(pc) =	sbr.rel @p1 .LBB2_40-.Ltmp26, $4  }
0x23a: {  	_ = 	snop  }
0x23b: {  	s1 =	sadd.s32 s1, s20  }
0x23c: {  	s1 =	sor.u32 $0x380, s1  }
0x23d: {  	s21 =	sadd.s32 $0x10, s21;
	s0 =	sadd.s32 $0x10, s0;
	s20 =	sadd.s32 $0x80, s20;
	[tilespmem:s1+$0x5880] =	vst v3  }
.LBB2_41:
0x23e: {  	s0 =	rddreg [dreg:$0x10]  }
0x23f: {  	v3 =	vld @!p0 [tilespmem:s0+$0x800];
	_ =	sdelay $0x2  }
0x240: {  	v4 =	vlaneseq.u32 @!p0  }
0x241: {  	vm0 =	vgt.s32 @!p0 v2, v4  }
0x242: {  	v2 =	vnsel @!p0 vm0, $0x0, v3  }
0x243: {  	v3 =	vshll.u32 @!p0 v2, $0x3  }
0x244: {  	v2 =	vand.u32 @!p0 $0x7F, v2;
	v3 =	vand.u32 @!p0 $0xFFFFFC00, v3  }
0x245: {  	v2 =	vor.u32 @!p0 v2, v3  }
0x246: {  	v3 =	vor.u32 @!p0 $0x200, v2;
	_ =	sdelay $0x3  }
0x247: {  	s0 =	simm.s32 @!p0 $0x1880  }
0x248: {  	v3 =	vld.idx.msk @!p0 [tilespmem:v3+s0+$0x0], $0xffff;
	_ =	sdelay $0x1  }
0x249: {  	v4 =	vor.u32 @!p0 $0x280, v2;
	_ =	sdelay $0x2  }
0x24a: {  	s1 =	rddreg [dreg:$0xf];
	v3 =	vnsel @!p0 vm0, $0x0, v3  }
0x24b: {  	[tilespmem:s1+$0x5A80] =	vst @!p0 v3  }
0x24c: {  	v3 =	vld.idx.msk @!p0 [tilespmem:v4+s0+$0x0], $0xffff;
	_ =	sdelay $0x1  }
0x24d: {  	v4 =	vor.u32 @!p0 $0x300, v2;
	_ =	sdelay $0x2  }
0x24e: {  	v3 =	vnsel @!p0 vm0, $0x0, v3  }
0x24f: {  	[tilespmem:s1+$0x5B00] =	vst @!p0 v3  }
0x250: {  	v3 =	vld.idx.msk @!p0 [tilespmem:v4+s0+$0x0], $0xffff;
	_ =	sdelay $0x1  }
0x251: {  	v2 =	vor.u32 @!p0 $0x380, v2;
	_ =	sdelay $0x2  }
0x252: {  	v3 =	vnsel @!p0 vm0, $0x0, v3  }
0x253: {  	[tilespmem:s1+$0x5B80] =	vst @!p0 v3  }
0x254: {  	v2 =	vld.idx.msk @!p0 [tilespmem:v2+s0+$0x0], $0xffff;
	_ =	sdelay $0x1  }
.Ltmp27:
0x255: {  	_ = 	snop;
	(pc) =	sbr.rel @p3 .LBB2_45-.Ltmp27, $4  }
0x256: {  	s0 =	rddreg [dreg:$0xd]  }
0x257: {  	s0 =	sor.u32 @!p0 s0, s29  }
0x258: {  	s0 =	sor.u32 @!p0 $0x380, s0;
	v2 =	vnsel @!p0 vm0, $0x0, v2  }
0x259: {  	[tilespmem:s0+$0x5880] =	vst @!p0 v2  }
0x25a: {  	s0 =	sadd.s32 $0x30, s25;
	s1 =	sadd.s32 $0x20, s25;
	s5 =	sadd.s32 $0x180, s19  }
0x25b: {  	s4 =	sadd.s32 $0x10, s25;
	s7 =	sand.u32 $0x70, s0;
	s9 =	sand.u32 $0xFFFFFC00, s5  }
0x25c: {  	s10 =	sand.u32 $0x70, s25;
	s14 =	sadd.s32 $0x80, s19;
	s9 =	sor.u32 s7, s9  }
0x25d: {  	s20 =	sand.u32 $0xFFFFFC00, s19;
	s21 =	sadd.s32 $0x100, s19;
	s11 =	sand.u32 $0x70, s1;
	[tilespmem:s9+$0x5A80] =	vst v1  }
0x25e: {  	s13 =	sand.u32 $0x70, s4;
	s15 =	sadd.s32 $0xFFFFFFD0, s0;
	s5 =	sadd.s32 s7, s5;
	[tilespmem:s9+$0x5B00] =	vst v1  }
0x25f: {  	s29 =	sand.u32 $0x70, s15;
	[tilespmem:s9+$0x5B80] =	vst v1;
	s15 =	sor.u32 $0x380, s5;
	s5 =	sadd.s32 $0x4, s26  }
0x260: {  	s16 =	sadd.s32 $0xFFFFFFE0, s0;
	s7 =	sor.u32 s29, s20;
	[tilespmem:s15+$0x5880] =	vst v1;
	p0 =	slt.s32 s5, s18  }
.Ltmp28:
0x261: {  	s17 =	sadd.s32 $0xFFFFFFF0, s0;
	s10 =	sadd.s32 s10, s19;
	[tilespmem:s7+$0x5A80] =	vst v1;
	(pc) =	sbr.rel @!p0 .LBB2_44-.Ltmp28, $4  }
0x262: {  	s22 =	sand.u32 $0x70, s16;
	s17 =	sand.u32 $0x70, s17;
	s10 =	sor.u32 $0x380, s10;
	[tilespmem:s7+$0x5B00] =	vst v1  }
0x263: {  	s26 =	sand.u32 $0xFFFFFC00, s14;
	s14 =	sadd.s32 s13, s14;
	s20 =	sand.u32 $0xFFFFFC00, s21;
	[tilespmem:s7+$0x5B80] =	vst v1  }
0x264: {  	s29 =	sadd.s32 s11, s21;
	s13 =	sor.u32 s22, s26;
	s11 =	sor.u32 $0x380, s14;
	[tilespmem:s10+$0x5880] =	vst v1  }
0x265: {  	s9 =	sor.u32 s17, s20;
	s7 =	sor.u32 $0x380, s29;
	[tilespmem:s13+$0x5A80] =	vst v1;
	s10 =	sadd.s32 $0x40, s25  }
.LBB2_43:
0x266: {  	s14 =	sand.u32 $0x70, s10;
	[tilespmem:s13+$0x5B00] =	vst v1;
	s1 =	sadd.s32 $0x40, s1;
	s4 =	sadd.s32 $0x40, s4  }
0x267: {  	s19 =	sadd.s32 $0x200, s19;
	s15 =	sand.u32 $0x70, s1;
	s16 =	sand.u32 $0x70, s4;
	[tilespmem:s13+$0x5B80] =	vst v1  }
0x268: {  	s0 =	sadd.s32 $0x40, s0;
	s13 =	sadd.s32 $0x80, s19;
	s17 =	sadd.s32 $0x180, s19;
	[tilespmem:s11+$0x5880] =	vst v1  }
0x269: {  	s20 =	sand.u32 $0x70, s0;
	s11 =	sadd.s32 $0xFFFFFFD0, s0;
	s21 =	sand.u32 $0xFFFFFC00, s17;
	[tilespmem:s9+$0x5A80] =	vst v1  }
0x26a: {  	s22 =	sadd.s32 $0xFFFFFFE0, s0;
	s25 =	sadd.s32 $0xFFFFFFF0, s0;
	s21 =	sor.u32 s20, s21;
	[tilespmem:s9+$0x5B00] =	vst v1  }
0x26b: {  	s5 =	sadd.s32 $0x4, s5;
	s26 =	sadd.s32 $0x100, s19;
	s11 =	sand.u32 $0x70, s11;
	[tilespmem:s21+$0x5A80] =	vst v1  }
0x26c: {  	s14 =	sadd.s32 s14, s19;
	p0 =	slt.s32 s5, s18;
	s17 =	sadd.s32 s20, s17;
	[tilespmem:s21+$0x5B00] =	vst v1  }
0x26d: {  	s20 =	sand.u32 $0x70, s22;
	s22 =	sand.u32 $0xFFFFFC00, s13;
	s17 =	sor.u32 $0x380, s17;
	[tilespmem:s21+$0x5B80] =	vst v1  }
0x26e: {  	s16 =	sadd.s32 s16, s13;
	s21 =	sand.u32 $0x70, s25;
	s25 =	sand.u32 $0xFFFFFC00, s26;
	[tilespmem:s17+$0x5880] =	vst v1  }
0x26f: {  	s14 =	sor.u32 $0x380, s14;
	s15 =	sadd.s32 s15, s26;
	s13 =	sand.u32 $0xFFFFFC00, s19;
	[tilespmem:s9+$0x5B80] =	vst v1  }
0x270: {  	s17 =	sor.u32 s11, s13;
	s13 =	sor.u32 s20, s22;
	s11 =	sor.u32 $0x380, s16;
	[tilespmem:s7+$0x5880] =	vst v1  }
.Ltmp29:
0x271: {  	s9 =	sor.u32 s21, s25;
	s7 =	sor.u32 $0x380, s15;
	[tilespmem:s17+$0x5A80] =	vst v1;
	(pc) =	sbr.rel @p0 .LBB2_43-.Ltmp29, $4  }
0x272: {  	[tilespmem:s17+$0x5B00] =	vst v1  }
0x273: {  	[tilespmem:s17+$0x5B80] =	vst v1  }
0x274: {  	[tilespmem:s14+$0x5880] =	vst v1  }
0x275: {  	s10 =	sadd.s32 $0x40, s10;
	[tilespmem:s13+$0x5A80] =	vst v1  }
.LBB2_44:
0x276: {  	[tilespmem:s13+$0x5B00] =	vst v1  }
0x277: {  	[tilespmem:s13+$0x5B80] =	vst v1  }
0x278: {  	[tilespmem:s9+$0x5A80] =	vst v1  }
0x279: {  	[tilespmem:s9+$0x5B00] =	vst v1  }
0x27a: {  	[tilespmem:s9+$0x5B80] =	vst v1  }
0x27b: {  	[tilespmem:s11+$0x5880] =	vst v1  }
0x27c: {  	[tilespmem:s7+$0x5880] =	vst v1  }
.LBB2_45:
.Ltmp30:
0x27d: {  	(pc) =	sbr.rel @p2 .LBB2_47-.Ltmp30, $1  }
0x27e: {  	_ =	sdelay $0x3  }
.LBB2_46:
0x27f: {  	s0 =	sand.u32 $0x70, s28;
	s1 =	sand.u32 $0xFFFFFC00, s24;
	p0 =	sne.s32 s23, $0x1  }
.Ltmp31:
0x280: {  	s1 =	sor.u32 s0, s1;
	(pc) =	sbr.rel @p0 .LBB2_46-.Ltmp31, $4  }
0x281: {  	[tilespmem:s1+$0x5A80] =	vst v1  }
0x282: {  	s0 =	sadd.s32 s0, s24;
	[tilespmem:s1+$0x5B00] =	vst v1  }
0x283: {  	[tilespmem:s1+$0x5B80] =	vst v1;
	s0 =	sor.u32 $0x380, s0  }
0x284: {  	s28 =	sadd.s32 $0x10, s28;
	s23 =	sadd.s32 $0xFFFFFFFF, s23;
	s24 =	sadd.s32 $0x80, s24;
	[tilespmem:s0+$0x5880] =	vst v1  }
.LBB2_47:
0x285: {  	s0 =	simm.s32 $0x5A80  }
0x286: {  	s1 =	simm.s32 $0x80;
	s5 =	sadd.s32 $0x0, s6;
	s4 =	simm.s32 $0x5E80  }
.LBB2_48:
0x287: {  	[hbm4b:s5+s2] =	stream.linear.scatter [tilespmem:s0], [sflag:$0x2], $0x200, $0x38;
	[tilespmem:$0xD880] =	vst v63  }
0x288: {  	s5 =	smov.u32 s1;
	s0 =	smov.u32 s4;
	p0 =	sne.s32 s1, $0xF80  }
.Ltmp32:
0x289: {  	s1 =	sadd.s32 $0x80, s1;
	(pc) =	sbr.rel @p0 .LBB2_48-.Ltmp32, $2  }
0x28a: {  	_ =	sdelay $0x2  }
0x28b: {  	s4 =	sadd.s32 $0x400, s4;
	s5 =	sadd.s32 s5, s6  }
0x28c: {  	[hbm4b:s5+s2] =	stream.linear.scatter [tilespmem:s0], [sflag:$0x2], $0x200, $0x38;
	[tilespmem:$0xD880] =	vst v63  }
0x28d: {  	_ =	swait.ge [sflag:s31], $0x4000  }
0x28e: {  	[sflag:s31] =	ssyncset.done $0x0  }
0x28f: {  	[sflag:s31] =	ssyncadd.s32 $0xFFFFC000  }
0x290: {  	_ =	swait.ge [sflag:s31], $0x4000  }
0x291: {  	s30 =	sadd.s32 $0x1, s30;
	s29 =	rddreg [dreg:$0x6]  }
0x292: {  	p0 =	sne.s32 s30, s29  }
.Ltmp33:
0x293: {  	_ = 	snop;
	(pc) =	sbr.rel @p0 .LBB2_1-.Ltmp33, $4  }
.Ltmp34:
0x294: {  	_ = 	snop;
	(pc) =	sbr.rel @!p0 .LBB2_50-.Ltmp34, $4  }
0x295: {  	_ = 	snop  }
0x296: {  	[sflag:s31] =	ssyncset.done $0x0  }
0x297: {  	[sflag:s31] =	ssyncadd.s32 $0xFFFFC000  }
0x298: {  	_ = 	snop  }
.LBB2_4:
.Ltmp35:
0x299: {  	(pc) =	sbr.rel .LBB2_7-.Ltmp35, $2  }
0x29a: {  	_ =	sdelay $0x2  }
0x29b: {  	p1 =	por $0x0, $0x0  }
.LBB2_8:
.Ltmp36:
0x29c: {  	(pc) =	sbr.rel .LBB2_13-.Ltmp36, $2  }
0x29d: {  	_ =	sdelay $0x2  }
0x29e: {  	s5 =	simm.s32 $0x0  }
.LBB2_10:
.Ltmp37:
0x29f: {  	(pc) =	sbr.rel .LBB2_13-.Ltmp37, $2  }
0x2a0: {  	_ =	sdelay $0x2  }
0x2a1: {  	v14 =	vmovc v11;
	s5 =	simm.s32 $0x0;
	v15 =	vmov v7;
	s10 =	simm.s32 $0x6;
	v5 =	vmov v2;
	s7 =	smov.u32 s1;
	v10 =	vmov v4  }
.LBB2_15:
.Ltmp38:
0x2a2: {  	(pc) =	sbr.rel .LBB2_37-.Ltmp38, $2  }
0x2a3: {  	_ =	sdelay $0x2  }
0x2a4: {  	v2 =	vmov v3;
	s4 =	simm.s32 $0x0  }
.LBB2_30:
.Ltmp39:
0x2a5: {  	(pc) =	sbr.rel .LBB2_57-.Ltmp39, $2  }
0x2a6: {  	_ =	sdelay $0x2  }
0x2a7: {  	p2 =	por $0x0, $0x0;
	v19 =	vmov v17;
	v5 =	vmov v10;
	p4 =	por $0x0, $0x0;
	s7 =	simm.s32 $0x0  }
.LBB2_32:
.Ltmp40:
0x2a8: {  	(pc) =	sbr.rel .LBB2_37-.Ltmp40, $3  }
0x2a9: {  	_ =	sdelay $0x1  }
0x2aa: {  	s7 =	smov.u32 s21;
	s4 =	simm.s32 $0x0  }
0x2ab: {  	v20 =	vmov v5;
	v5 =	vmov v6;
	v2 =	vmov v4;
	s9 =	smov.u32 s15;
	s20 =	smov.u32 s22;
	s19 =	smov.u32 s23  }
.LBB2_52:
.Ltmp41:
0x2ac: {  	(pc) =	sbr.rel .LBB2_57-.Ltmp41, $2  }
0x2ad: {  	_ =	sdelay $0x2  }
0x2ae: {  	p2 =	por $0x0, $0x0;
	v19 =	vmov v7;
	p4 =	por $0x0, $0x0;
	s7 =	simm.s32 $0x0;
	v5 =	vmov v6  }
.LBB2_34:
.Ltmp42:
0x2af: {  	(pc) =	sbr.rel .LBB2_37-.Ltmp42, $2  }
0x2b0: {  	_ =	sdelay $0x2  }
0x2b1: {  	v20 =	vmov v6;
	v3 =	vmov v4;
	s10 =	smov.u32 s15;
	s5 =	smov.u32 s14;
	s14 =	smov.u32 s13  }
.LBB2_54:
.Ltmp43:
0x2b2: {  	(pc) =	sbr.rel .LBB2_57-.Ltmp43, $4  }
0x2b3: {  	_ = 	snop  }
0x2b4: {  	s15 =	smov.u32 s1;
	s13 =	smov.u32 s22;
	s16 =	rddreg [dreg:$0x8]  }
0x2b5: {  	s1 =	smov.u32 s9;
	s0 =	smov.u32 s14;
	s25 =	rddreg [dreg:$0x9]  }
0x2b6: {  	v17 =	vmov v7;
	v18 =	vmov v10;
	v10 =	vmov v6;
	s31 =	simm.s32 $0x2;
	s26 =	rddreg [dreg:$0xb];
	s22 =	simm.s32 $0x0  }
.LBB2_50:
0x2b7: {  	_ =	sfence.sel $0x180000  }
0x2b8: {  	[bflag:$0x0] =	sbarrier.arrive $0xFFFF  }
0x2b9: {  	_ =	strace $0x90000047  }
0x2ba: {  	s0 =	stileid.u32;
	[bflag:$0x2] =	sbarrier.arrive $0xFFFF  }
0x2bb: {  	p0 =	sne.s32 s0, $0x0;
	s0 =	rddreg [dreg:$0x3]  }
0x2bc: {  	s0 =	sadd.s32 @!p0 $0x100000, s0  }
0x2bd: {  	[sflag:s0] =	ssyncadd.tile.s32 @!p0 $0x1;
	_ =	shalt  }
.Lfunc_end2:
_tile_overlayer_lowered:
.L_overlay_start_2:
0x2be: {  	(tag) =	ssettag $0x2  }
0x2bf: {  	s0 =	rddreg [dreg:$0x0];
	s2 =	stileid.u32  }
0x2c0: {  	s1 =	rddreg [dreg:$0x1];
	p0 =	sne.s32 s2, $0x0  }
0x2c1: {  	s3 =	rddreg [dreg:$0x2];
	[bflag:$0x3] =	sbarrier.arrive $0xFFFF;
	s2 =	simm.s32 @!p0 $0x1C03  }
0x2c2: {  	[timem:s3], [sflag:s2] =	dma.local @!p0 [hbm:s0], s1  }
0x2c3: {  	s0 =	simm.s32 @!p0 $0x3  }
0x2c4: {  	_ =	swait.ge @!p0 [sflag:s0], s1  }
0x2c5: {  	s1 =	ssub.s32 @!p0 $0x0, s1;
	[sflag:s0] =	ssyncset.done @!p0 $0x0  }
0x2c6: {  	[sflag:s0] =	ssyncadd.s32 @!p0 s1  }
0x2c7: {  	[bflag:$0x3] =	sbarrier.arrive $0xFFFF  }
0x2c8: {  	_ =	shalt  }

</sc_bundles>
